<compile_context>
chip_gen: v7x
topology: tpu7x:2x2x1
jax: 0.10.2.dev20260603
libtpu: 0.0.44.dev20260713+nightly
codegen_flags: <defaults>
</compile_context>

<pallas_src>
import jax
import jax.numpy as jnp
from jax import lax
from jax.experimental import pallas as pl
from jax.experimental.pallas import tpu as pltpu
from jax.experimental.pallas import tpu_sc as plsc

B = 4
P = 512
T = 2048
DI = 1024
DO = 1024
L = 16
R = B * P
YROWS = (L + 1) * R


def _map_body(pi_ref, idx_ref):
    pi = pi_ref[0, :]
    piB = jnp.broadcast_to(pi[None, :], (T, P))
    t2 = lax.broadcasted_iota(jnp.int32, (T, P), 0)
    lt = piB < t2
    idx = jnp.sum(lt.astype(jnp.int32), axis=1)
    prev = jnp.max(jnp.where(lt, piB, -1), axis=1)
    t1 = lax.iota(jnp.int32, T)
    pos = jnp.minimum(t1 - 1 - prev, L - 1)
    valid = idx < P
    l_eff = jnp.where(valid, pos, L)
    j_eff = jnp.where(valid, idx, 0)
    rows = l_eff * R + j_eff
    boff = lax.broadcasted_iota(jnp.int32, (B, T), 0) * P
    idx_ref[...] = rows[None, :] + boff


def _mm_body(pi_ref, x_ref, w_ref, y_ref, idx_ref):
    p = pl.program_id(0)

    @pl.when(p > 0)
    def _matmul():
        y_ref[...] = lax.dot_general(
            x_ref[...], w_ref[0],
            dimension_numbers=(((1,), (1,)), ((), ())),
            preferred_element_type=jnp.float32,
        )

    @pl.when(p == 0)
    def _zeros():
        y_ref[...] = jnp.zeros_like(y_ref)
        _map_body(pi_ref, idx_ref)


def _mm_call(pi2d, x_flat, W):
    return pl.pallas_call(
        _mm_body,
        grid=(L + 1,),
        in_specs=[
            pl.BlockSpec((1, P), lambda p: (0, 0)),
            pl.BlockSpec((R, DI), lambda p: (0, 0)),
            pl.BlockSpec((1, DO, DI), lambda p: (jnp.maximum(p - 1, 0), 0, 0)),
        ],
        out_specs=[
            pl.BlockSpec((R, DO), lambda p: (jnp.where(p == 0, L, p - 1), 0)),
            pl.BlockSpec((B, T), lambda p: (0, 0)),
        ],
        out_shape=[
            jax.ShapeDtypeStruct((YROWS, DO), jnp.float32),
            jax.ShapeDtypeStruct((B, T), jnp.int32),
        ],
    )(pi2d, x_flat, W)


NW = 32
RPW = (B * T) // NW
CH = 16
NCHUNK = RPW // CH


NBUF = 6


def _sc_body(y_hbm, idx_hbm, out_hbm, idx_v, rows_v, sem_g, sem_s):
    wid = lax.axis_index("s") * 2 + lax.axis_index("c")
    base = wid * RPW
    pltpu.sync_copy(idx_hbm.at[pl.ds(base, RPW)], idx_v)
    for c in range(NBUF - 1):
        pltpu.async_copy(y_hbm.at[idx_v.at[pl.ds(c * CH, CH)]],
                         rows_v.at[c], sem_g)
    last_waited_store = -1
    for c in range(NCHUNK):
        pltpu.make_async_copy(y_hbm.at[idx_v.at[pl.ds(c * CH, CH)]],
                              rows_v.at[c % NBUF], sem_g).wait()
        if c + NBUF - 1 < NCHUNK:
            if c >= 1:
                pltpu.make_async_copy(
                    rows_v.at[(c - 1) % NBUF],
                    out_hbm.at[pl.ds(base + (c - 1) * CH, CH)],
                    sem_s).wait()
                last_waited_store = c - 1
            pltpu.async_copy(
                y_hbm.at[idx_v.at[pl.ds((c + NBUF - 1) * CH, CH)]],
                rows_v.at[(c + NBUF - 1) % NBUF], sem_g)
        pltpu.async_copy(rows_v.at[c % NBUF],
                         out_hbm.at[pl.ds(base + c * CH, CH)], sem_s)
    for c in range(last_waited_store + 1, NCHUNK):
        pltpu.make_async_copy(rows_v.at[c % NBUF],
                              out_hbm.at[pl.ds(base + c * CH, CH)],
                              sem_s).wait()


def _sc_call(y, idx_flat):
    mesh = plsc.VectorSubcoreMesh(core_axis_name="c", subcore_axis_name="s")
    f = pl.kernel(
        _sc_body,
        out_type=jax.ShapeDtypeStruct((B * T, DO), jnp.float32),
        mesh=mesh,
        scratch_types=[
            pltpu.VMEM((RPW,), jnp.int32),
            pltpu.VMEM((NBUF, CH, DO), jnp.float32),
            pltpu.SemaphoreType.DMA,
            pltpu.SemaphoreType.DMA,
        ],
    )
    return f(y, idx_flat)


def kernel(pooled_vectors, pooling_indices, target_length, W):
    x_flat = pooled_vectors.reshape(R, DI)
    pi2d = pooling_indices.reshape(1, P).astype(jnp.int32)
    y, row_idx = _mm_call(pi2d, x_flat, W)
    out = _sc_call(y, row_idx.reshape(B * T))
    return out.reshape(B, T, DO)

# --- scband reference (transcript-rebuilt; emitter-appended) ---
"""Pipeline reference for scband-multi-linear-upsampling-33260226740563 (READ-ONLY COPY).

The authoritative reference and input builder live on the scoring server;
editing this copy changes nothing except your own understanding.
"""

import jax, jax.numpy as jnp
import numpy as np

B = 4
NUM_POOLED = 512
TARGET_LEN = 2048
INPUT_DIM = 1024
OUTPUT_DIM = 1024
MAX_SEG = 16


def setup_inputs(seed: int = 0):
    key = jax.random.key(seed)
    k1, k2, k3 = jax.random.split(key, 3)
    pooled_vectors = jax.random.normal(k1, (B, NUM_POOLED, INPUT_DIM), dtype=jnp.float32)
    pooling_indices = jnp.sort(jax.random.randint(k2, (NUM_POOLED,), 0, TARGET_LEN, dtype=jnp.int32))
    # stacked nn.Linear weights, one (output_dim, input_dim) matrix per position slot
    W = jax.random.normal(k3, (MAX_SEG, OUTPUT_DIM, INPUT_DIM), dtype=jnp.float32) * 0.02
    return {"pooled_vectors": pooled_vectors, "pooling_indices": pooling_indices, "target_length": TARGET_LEN, "W": W}


def _build_maps(pooling_indices, num_pooled, target_length, max_seg):
    pi = pooling_indices
    t = jnp.arange(TARGET_LEN, dtype=pi.dtype)
    idx = jnp.searchsorted(pi, t, side='left')
    idx_safe = jnp.minimum(idx, num_pooled - 1)
    seg_start = jnp.where(idx_safe > 0, pi[idx_safe - 1] + 1, 0)
    seg_end = jnp.minimum(pi[idx_safe] + 1, target_length)
    valid = (idx < num_pooled) & (t >= seg_start) & (t < seg_end)
    seg_id = jnp.where(valid, idx_safe, -1)
    pos_id = jnp.where(valid, jnp.minimum(t - seg_start, max_seg - 1), 0)
    return seg_id, pos_id


def reference(pooled_vectors, pooling_indices, target_length, W):
    Bq, num_pooled, _ = pooled_vectors.shape
    max_seg = W.shape[0]
    out_dim = W.shape[1]
    if num_pooled == 0 or TARGET_LEN == 0:
        return jnp.zeros((Bq, TARGET_LEN, out_dim), dtype=pooled_vectors.dtype)
    seg_id, pos_id = _build_maps(pooling_indices, num_pooled, target_length, max_seg)
    valid = seg_id >= 0
    seg_safe = jnp.where(valid, seg_id, 0)
    gathered = pooled_vectors[:, seg_safe, :]  # (B, T, input_dim)
    out = jnp.zeros((Bq, TARGET_LEN, out_dim), dtype=pooled_vectors.dtype)
    for l in range(max_seg):
        sel = valid & (pos_id == l)
        y = gathered @ W[l].T  # (B, T, out_dim)
        out = jnp.where(sel[None, :, None], y, out)
    return out

if __name__ == "__main__":
    import jax
    _d = setup_inputs()
    print(jax.jit(kernel)(*tuple(_d.values())))

</pallas_src>

<mosaic_0001>
#map = affine_map<(d0, d1) -> (0, 0)>
#map1 = affine_map<(d0, d1) -> (0)>
module attributes {stable_mosaic.version = 14 : i64} {
  func.func @_sc_body(%arg0: i32, %arg1: i32, %arg2: memref<34816x1024xf32, #tpu.memory_space<hbm>>, %arg3: memref<8192xi32, #tpu.memory_space<hbm>>, %arg4: memref<8192x1024xf32, #tpu.memory_space<hbm>>, %arg5: memref<256xi32, #tpu.memory_space<vmem>>, %arg6: memref<6x16x1024xf32, #tpu.memory_space<vmem>>, %arg7: memref<!tpu.dma_semaphore, #tpu.memory_space<semaphore_mem>>, %arg8: memref<!tpu.dma_semaphore, #tpu.memory_space<semaphore_mem>>) attributes {dimension_semantics = [#tpu.dimension_semantics<core_parallel>, #tpu.dimension_semantics<subcore_parallel>], iteration_bounds = array<i64: 2, 16>, scalar_prefetch = 0 : i64, scratch_operands = 4 : i64, tpu.core_type = #tpu.core_type<sc_vector_subcore>, window_params = [{transform_indices = #map}, {transform_indices = #map1}, {transform_indices = #map}]} {
    %mul3A = arith.constant 2 : i32
    %mul3A_0 = arith.muli %arg1, %mul3A : i32
    %add3A = arith.addi %mul3A_0, %arg0 : i32
    %mul3A_1 = arith.constant 256 : i32
    %mul3A_2 = arith.muli %add3A, %mul3A_1 : i32
    "tpu.region"() ({
      %run_scoped3A = tpu.sem_alloc : memref<!tpu.dma_semaphore, #tpu.memory_space<semaphore_mem>>
      %dma_start3A_801 = tpu.memref_slice %arg3[%mul3A_2] : memref<8192xi32, #tpu.memory_space<hbm>> -> memref<256xi32, #tpu.memory_space<hbm>>
      %dma_start3A_802 = tpu.memref_slice %arg3[%mul3A_2] : memref<8192xi32, #tpu.memory_space<hbm>> -> memref<256xi32, #tpu.memory_space<hbm>>
      tpu.enqueue_dma source(%dma_start3A_802 : memref<256xi32, #tpu.memory_space<hbm>>) target(%arg5 : memref<256xi32, #tpu.memory_space<vmem>>) target_semaphore(%run_scoped3A : memref<!tpu.dma_semaphore, #tpu.memory_space<semaphore_mem>>)
      %dma_wait3A_803 = tpu.memref_slice %arg3[%mul3A_2] : memref<8192xi32, #tpu.memory_space<hbm>> -> memref<256xi32, #tpu.memory_space<hbm>>
      %dma_wait3A_804 = tpu.memref_slice %arg3[%mul3A_2] : memref<8192xi32, #tpu.memory_space<hbm>> -> memref<256xi32, #tpu.memory_space<hbm>>
      tpu.wait_dma2 semaphore(%run_scoped3A : memref<!tpu.dma_semaphore, #tpu.memory_space<semaphore_mem>>) src(%dma_wait3A_804 : memref<256xi32, #tpu.memory_space<hbm>>) dst(%arg5 : memref<256xi32, #tpu.memory_space<vmem>>)
      tpu.yield
    }) : () -> ()
    %dma_start3A = arith.constant 0 : i32
    %dma_start3A_3 = arith.constant 0 : i32
    %dma_start3A_4 = arith.constant 0 : i32
    %dma_start3A_5 = tpu.memref_slice %arg6[%dma_start3A, %dma_start3A_3, %dma_start3A_4] : memref<6x16x1024xf32, #tpu.memory_space<vmem>> -> memref<1x16x1024xf32, #tpu.memory_space<vmem>>
    %dma_start3A_6 = tpu.memref_squeeze %dma_start3A_5 : memref<1x16x1024xf32, #tpu.memory_space<vmem>> -> memref<16x1024xf32, #tpu.memory_space<vmem>>
    %dma_start3A_7 = arith.constant 0 : i32
    %dma_start3A_8 = tpu.memref_slice %arg5[%dma_start3A_7] : memref<256xi32, #tpu.memory_space<vmem>> -> memref<16xi32, #tpu.memory_space<vmem>>
    %dma_start3A_9 = arith.constant 0 : i32
    %dma_start3A_10 = arith.constant 0 : i32
    %dma_start3A_11 = tpu.memref_slice %arg2[%dma_start3A_9, %dma_start3A_10] : memref<34816x1024xf32, #tpu.memory_space<hbm>> -> memref<34816x1024xf32, #tpu.memory_space<hbm>>
    tpu.enqueue_indirect_dma source(%dma_start3A_11 : memref<34816x1024xf32, #tpu.memory_space<hbm>>) target(%dma_start3A_6 : memref<16x1024xf32, #tpu.memory_space<vmem>>) offsets(%dma_start3A_8 : memref<16xi32, #tpu.memory_space<vmem>>) semaphore(%arg7 : memref<!tpu.dma_semaphore, #tpu.memory_space<semaphore_mem>>)
    %dma_start3A_12 = arith.constant 1 : i32
    %dma_start3A_13 = arith.constant 0 : i32
    %dma_start3A_14 = arith.constant 0 : i32
    %dma_start3A_15 = tpu.memref_slice %arg6[%dma_start3A_12, %dma_start3A_13, %dma_start3A_14] : memref<6x16x1024xf32, #tpu.memory_space<vmem>> -> memref<1x16x1024xf32, #tpu.memory_space<vmem>>
    %dma_start3A_16 = tpu.memref_squeeze %dma_start3A_15 : memref<1x16x1024xf32, #tpu.memory_space<vmem>> -> memref<16x1024xf32, #tpu.memory_space<vmem>>
    %dma_start3A_17 = arith.constant 16 : i32
    %dma_start3A_18 = tpu.memref_slice %arg5[%dma_start3A_17] : memref<256xi32, #tpu.memory_space<vmem>> -> memref<16xi32, #tpu.memory_space<vmem>>
    %dma_start3A_19 = arith.constant 0 : i32
    %dma_start3A_20 = arith.constant 0 : i32
    %dma_start3A_21 = tpu.memref_slice %arg2[%dma_start3A_19, %dma_start3A_20] : memref<34816x1024xf32, #tpu.memory_space<hbm>> -> memref<34816x1024xf32, #tpu.memory_space<hbm>>
    tpu.enqueue_indirect_dma source(%dma_start3A_21 : memref<34816x1024xf32, #tpu.memory_space<hbm>>) target(%dma_start3A_16 : memref<16x1024xf32, #tpu.memory_space<vmem>>) offsets(%dma_start3A_18 : memref<16xi32, #tpu.memory_space<vmem>>) semaphore(%arg7 : memref<!tpu.dma_semaphore, #tpu.memory_space<semaphore_mem>>)
    %dma_start3A_22 = arith.constant 2 : i32
    %dma_start3A_23 = arith.constant 0 : i32
    %dma_start3A_24 = arith.constant 0 : i32
    %dma_start3A_25 = tpu.memref_slice %arg6[%dma_start3A_22, %dma_start3A_23, %dma_start3A_24] : memref<6x16x1024xf32, #tpu.memory_space<vmem>> -> memref<1x16x1024xf32, #tpu.memory_space<vmem>>
    %dma_start3A_26 = tpu.memref_squeeze %dma_start3A_25 : memref<1x16x1024xf32, #tpu.memory_space<vmem>> -> memref<16x1024xf32, #tpu.memory_space<vmem>>
    %dma_start3A_27 = arith.constant 32 : i32
    %dma_start3A_28 = tpu.memref_slice %arg5[%dma_start3A_27] : memref<256xi32, #tpu.memory_space<vmem>> -> memref<16xi32, #tpu.memory_space<vmem>>
    %dma_start3A_29 = arith.constant 0 : i32
    %dma_start3A_30 = arith.constant 0 : i32
    %dma_start3A_31 = tpu.memref_slice %arg2[%dma_start3A_29, %dma_start3A_30] : memref<34816x1024xf32, #tpu.memory_space<hbm>> -> memref<34816x1024xf32, #tpu.memory_space<hbm>>
    tpu.enqueue_indirect_dma source(%dma_start3A_31 : memref<34816x1024xf32, #tpu.memory_space<hbm>>) target(%dma_start3A_26 : memref<16x1024xf32, #tpu.memory_space<vmem>>) offsets(%dma_start3A_28 : memref<16xi32, #tpu.memory_space<vmem>>) semaphore(%arg7 : memref<!tpu.dma_semaphore, #tpu.memory_space<semaphore_mem>>)
    %dma_start3A_32 = arith.constant 3 : i32
    %dma_start3A_33 = arith.constant 0 : i32
    %dma_start3A_34 = arith.constant 0 : i32
    %dma_start3A_35 = tpu.memref_slice %arg6[%dma_start3A_32, %dma_start3A_33, %dma_start3A_34] : memref<6x16x1024xf32, #tpu.memory_space<vmem>> -> memref<1x16x1024xf32, #tpu.memory_space<vmem>>
    %dma_start3A_36 = tpu.memref_squeeze %dma_start3A_35 : memref<1x16x1024xf32, #tpu.memory_space<vmem>> -> memref<16x1024xf32, #tpu.memory_space<vmem>>
    %dma_start3A_37 = arith.constant 48 : i32
    %dma_start3A_38 = tpu.memref_slice %arg5[%dma_start3A_37] : memref<256xi32, #tpu.memory_space<vmem>> -> memref<16xi32, #tpu.memory_space<vmem>>
    %dma_start3A_39 = arith.constant 0 : i32
    %dma_start3A_40 = arith.constant 0 : i32
    %dma_start3A_41 = tpu.memref_slice %arg2[%dma_start3A_39, %dma_start3A_40] : memref<34816x1024xf32, #tpu.memory_space<hbm>> -> memref<34816x1024xf32, #tpu.memory_space<hbm>>
    tpu.enqueue_indirect_dma source(%dma_start3A_41 : memref<34816x1024xf32, #tpu.memory_space<hbm>>) target(%dma_start3A_36 : memref<16x1024xf32, #tpu.memory_space<vmem>>) offsets(%dma_start3A_38 : memref<16xi32, #tpu.memory_space<vmem>>) semaphore(%arg7 : memref<!tpu.dma_semaphore, #tpu.memory_space<semaphore_mem>>)
    %dma_start3A_42 = arith.constant 4 : i32
    %dma_start3A_43 = arith.constant 0 : i32
    %dma_start3A_44 = arith.constant 0 : i32
    %dma_start3A_45 = tpu.memref_slice %arg6[%dma_start3A_42, %dma_start3A_43, %dma_start3A_44] : memref<6x16x1024xf32, #tpu.memory_space<vmem>> -> memref<1x16x1024xf32, #tpu.memory_space<vmem>>
    %dma_start3A_46 = tpu.memref_squeeze %dma_start3A_45 : memref<1x16x1024xf32, #tpu.memory_space<vmem>> -> memref<16x1024xf32, #tpu.memory_space<vmem>>
    %dma_start3A_47 = arith.constant 64 : i32
    %dma_start3A_48 = tpu.memref_slice %arg5[%dma_start3A_47] : memref<256xi32, #tpu.memory_space<vmem>> -> memref<16xi32, #tpu.memory_space<vmem>>
    %dma_start3A_49 = arith.constant 0 : i32
    %dma_start3A_50 = arith.constant 0 : i32
    %dma_start3A_51 = tpu.memref_slice %arg2[%dma_start3A_49, %dma_start3A_50] : memref<34816x1024xf32, #tpu.memory_space<hbm>> -> memref<34816x1024xf32, #tpu.memory_space<hbm>>
    tpu.enqueue_indirect_dma source(%dma_start3A_51 : memref<34816x1024xf32, #tpu.memory_space<hbm>>) target(%dma_start3A_46 : memref<16x1024xf32, #tpu.memory_space<vmem>>) offsets(%dma_start3A_48 : memref<16xi32, #tpu.memory_space<vmem>>) semaphore(%arg7 : memref<!tpu.dma_semaphore, #tpu.memory_space<semaphore_mem>>)
    %dma_wait3A = arith.constant 0 : i32
    %dma_wait3A_52 = arith.constant 0 : i32
    %dma_wait3A_53 = arith.constant 0 : i32
    %dma_wait3A_54 = tpu.memref_slice %arg6[%dma_wait3A, %dma_wait3A_52, %dma_wait3A_53] : memref<6x16x1024xf32, #tpu.memory_space<vmem>> -> memref<1x16x1024xf32, #tpu.memory_space<vmem>>
    %dma_wait3A_55 = tpu.memref_squeeze %dma_wait3A_54 : memref<1x16x1024xf32, #tpu.memory_space<vmem>> -> memref<16x1024xf32, #tpu.memory_space<vmem>>
    %dma_wait3A_56 = arith.constant 0 : i32
    %dma_wait3A_57 = tpu.memref_slice %arg5[%dma_wait3A_56] : memref<256xi32, #tpu.memory_space<vmem>> -> memref<16xi32, #tpu.memory_space<vmem>>
    %dma_wait3A_58 = arith.constant 0 : i32
    %dma_wait3A_59 = arith.constant 0 : i32
    %dma_wait3A_60 = tpu.memref_slice %arg2[%dma_wait3A_58, %dma_wait3A_59] : memref<34816x1024xf32, #tpu.memory_space<hbm>> -> memref<34816x1024xf32, #tpu.memory_space<hbm>>
    tpu.wait_indirect_dma semaphore(%arg7 : memref<!tpu.dma_semaphore, #tpu.memory_space<semaphore_mem>>) src(%dma_wait3A_60 : memref<34816x1024xf32, #tpu.memory_space<hbm>>) dst(%dma_wait3A_55 : memref<16x1024xf32, #tpu.memory_space<vmem>>)
    %dma_start3A_61 = arith.constant 5 : i32
    %dma_start3A_62 = arith.constant 0 : i32
    %dma_start3A_63 = arith.constant 0 : i32
    %dma_start3A_64 = tpu.memref_slice %arg6[%dma_start3A_61, %dma_start3A_62, %dma_start3A_63] : memref<6x16x1024xf32, #tpu.memory_space<vmem>> -> memref<1x16x1024xf32, #tpu.memory_space<vmem>>
    %dma_start3A_65 = tpu.memref_squeeze %dma_start3A_64 : memref<1x16x1024xf32, #tpu.memory_space<vmem>> -> memref<16x1024xf32, #tpu.memory_space<vmem>>
    %dma_start3A_66 = arith.constant 80 : i32
    %dma_start3A_67 = tpu.memref_slice %arg5[%dma_start3A_66] : memref<256xi32, #tpu.memory_space<vmem>> -> memref<16xi32, #tpu.memory_space<vmem>>
    %dma_start3A_68 = arith.constant 0 : i32
    %dma_start3A_69 = arith.constant 0 : i32
    %dma_start3A_70 = tpu.memref_slice %arg2[%dma_start3A_68, %dma_start3A_69] : memref<34816x1024xf32, #tpu.memory_space<hbm>> -> memref<34816x1024xf32, #tpu.memory_space<hbm>>
    tpu.enqueue_indirect_dma source(%dma_start3A_70 : memref<34816x1024xf32, #tpu.memory_space<hbm>>) target(%dma_start3A_65 : memref<16x1024xf32, #tpu.memory_space<vmem>>) offsets(%dma_start3A_67 : memref<16xi32, #tpu.memory_space<vmem>>) semaphore(%arg7 : memref<!tpu.dma_semaphore, #tpu.memory_space<semaphore_mem>>)
    %add3A_71 = arith.constant 0 : i32
    %add3A_72 = arith.addi %mul3A_2, %add3A_71 : i32
    %dma_start3A_73 = arith.constant 0 : i32
    %dma_start3A_74 = arith.constant 0 : i32
    %dma_start3A_75 = arith.constant 0 : i32
    %dma_start3A_76 = tpu.memref_slice %arg6[%dma_start3A_73, %dma_start3A_74, %dma_start3A_75] : memref<6x16x1024xf32, #tpu.memory_space<vmem>> -> memref<1x16x1024xf32, #tpu.memory_space<vmem>>
    %dma_start3A_77 = tpu.memref_squeeze %dma_start3A_76 : memref<1x16x1024xf32, #tpu.memory_space<vmem>> -> memref<16x1024xf32, #tpu.memory_space<vmem>>
    %dma_start3A_78 = arith.constant 0 : i32
    %dma_start3A_79 = tpu.memref_slice %arg4[%add3A_72, %dma_start3A_78] : memref<8192x1024xf32, #tpu.memory_space<hbm>> -> memref<16x1024xf32, #tpu.memory_space<hbm>>
    %dma_start3A_80 = arith.constant 0 : i32
    %dma_start3A_81 = tpu.memref_slice %arg4[%add3A_72, %dma_start3A_80] : memref<8192x1024xf32, #tpu.memory_space<hbm>> -> memref<16x1024xf32, #tpu.memory_space<hbm>>
    %dma_start3A_82 = arith.constant 0 : i32
    %dma_start3A_83 = arith.constant 0 : i32
    %dma_start3A_84 = tpu.memref_slice %arg6[%dma_start3A_73, %dma_start3A_82, %dma_start3A_83] : memref<6x16x1024xf32, #tpu.memory_space<vmem>> -> memref<1x16x1024xf32, #tpu.memory_space<vmem>>
    %dma_start3A_85 = tpu.memref_squeeze %dma_start3A_84 : memref<1x16x1024xf32, #tpu.memory_space<vmem>> -> memref<16x1024xf32, #tpu.memory_space<vmem>>
    tpu.enqueue_dma source(%dma_start3A_85 : memref<16x1024xf32, #tpu.memory_space<vmem>>) target(%dma_start3A_81 : memref<16x1024xf32, #tpu.memory_space<hbm>>) target_semaphore(%arg8 : memref<!tpu.dma_semaphore, #tpu.memory_space<semaphore_mem>>)
    %dma_wait3A_86 = arith.constant 1 : i32
    %dma_wait3A_87 = arith.constant 0 : i32
    %dma_wait3A_88 = arith.constant 0 : i32
    %dma_wait3A_89 = tpu.memref_slice %arg6[%dma_wait3A_86, %dma_wait3A_87, %dma_wait3A_88] : memref<6x16x1024xf32, #tpu.memory_space<vmem>> -> memref<1x16x1024xf32, #tpu.memory_space<vmem>>
    %dma_wait3A_90 = tpu.memref_squeeze %dma_wait3A_89 : memref<1x16x1024xf32, #tpu.memory_space<vmem>> -> memref<16x1024xf32, #tpu.memory_space<vmem>>
    %dma_wait3A_91 = arith.constant 16 : i32
    %dma_wait3A_92 = tpu.memref_slice %arg5[%dma_wait3A_91] : memref<256xi32, #tpu.memory_space<vmem>> -> memref<16xi32, #tpu.memory_space<vmem>>
    %dma_wait3A_93 = arith.constant 0 : i32
    %dma_wait3A_94 = arith.constant 0 : i32
    %dma_wait3A_95 = tpu.memref_slice %arg2[%dma_wait3A_93, %dma_wait3A_94] : memref<34816x1024xf32, #tpu.memory_space<hbm>> -> memref<34816x1024xf32, #tpu.memory_space<hbm>>
    tpu.wait_indirect_dma semaphore(%arg7 : memref<!tpu.dma_semaphore, #tpu.memory_space<semaphore_mem>>) src(%dma_wait3A_95 : memref<34816x1024xf32, #tpu.memory_space<hbm>>) dst(%dma_wait3A_90 : memref<16x1024xf32, #tpu.memory_space<vmem>>)
    %add3A_96 = arith.constant 0 : i32
    %add3A_97 = arith.addi %mul3A_2, %add3A_96 : i32
    %dma_wait3A_98 = arith.constant 0 : i32
    %dma_wait3A_99 = arith.constant 0 : i32
    %dma_wait3A_100 = arith.constant 0 : i32
    %dma_wait3A_101 = tpu.memref_slice %arg6[%dma_wait3A_98, %dma_wait3A_99, %dma_wait3A_100] : memref<6x16x1024xf32, #tpu.memory_space<vmem>> -> memref<1x16x1024xf32, #tpu.memory_space<vmem>>
    %dma_wait3A_102 = tpu.memref_squeeze %dma_wait3A_101 : memref<1x16x1024xf32, #tpu.memory_space<vmem>> -> memref<16x1024xf32, #tpu.memory_space<vmem>>
    %dma_wait3A_103 = arith.constant 0 : i32
    %dma_wait3A_104 = tpu.memref_slice %arg4[%add3A_97, %dma_wait3A_103] : memref<8192x1024xf32, #tpu.memory_space<hbm>> -> memref<16x1024xf32, #tpu.memory_space<hbm>>
    %dma_wait3A_105 = arith.constant 0 : i32
    %dma_wait3A_106 = tpu.memref_slice %arg4[%add3A_97, %dma_wait3A_105] : memref<8192x1024xf32, #tpu.memory_space<hbm>> -> memref<16x1024xf32, #tpu.memory_space<hbm>>
    %dma_wait3A_107 = arith.constant 0 : i32
    %dma_wait3A_108 = arith.constant 0 : i32
    %dma_wait3A_109 = tpu.memref_slice %arg6[%dma_wait3A_98, %dma_wait3A_107, %dma_wait3A_108] : memref<6x16x1024xf32, #tpu.memory_space<vmem>> -> memref<1x16x1024xf32, #tpu.memory_space<vmem>>
    %dma_wait3A_110 = tpu.memref_squeeze %dma_wait3A_109 : memref<1x16x1024xf32, #tpu.memory_space<vmem>> -> memref<16x1024xf32, #tpu.memory_space<vmem>>
    tpu.wait_dma2 semaphore(%arg8 : memref<!tpu.dma_semaphore, #tpu.memory_space<semaphore_mem>>) src(%dma_wait3A_110 : memref<16x1024xf32, #tpu.memory_space<vmem>>) dst(%dma_wait3A_106 : memref<16x1024xf32, #tpu.memory_space<hbm>>)
    %dma_start3A_111 = arith.constant 0 : i32
    %dma_start3A_112 = arith.constant 0 : i32
    %dma_start3A_113 = arith.constant 0 : i32
    %dma_start3A_114 = tpu.memref_slice %arg6[%dma_start3A_111, %dma_start3A_112, %dma_start3A_113] : memref<6x16x1024xf32, #tpu.memory_space<vmem>> -> memref<1x16x1024xf32, #tpu.memory_space<vmem>>
    %dma_start3A_115 = tpu.memref_squeeze %dma_start3A_114 : memref<1x16x1024xf32, #tpu.memory_space<vmem>> -> memref<16x1024xf32, #tpu.memory_space<vmem>>
    %dma_start3A_116 = arith.constant 96 : i32
    %dma_start3A_117 = tpu.memref_slice %arg5[%dma_start3A_116] : memref<256xi32, #tpu.memory_space<vmem>> -> memref<16xi32, #tpu.memory_space<vmem>>
    %dma_start3A_118 = arith.constant 0 : i32
    %dma_start3A_119 = arith.constant 0 : i32
    %dma_start3A_120 = tpu.memref_slice %arg2[%dma_start3A_118, %dma_start3A_119] : memref<34816x1024xf32, #tpu.memory_space<hbm>> -> memref<34816x1024xf32, #tpu.memory_space<hbm>>
    tpu.enqueue_indirect_dma source(%dma_start3A_120 : memref<34816x1024xf32, #tpu.memory_space<hbm>>) target(%dma_start3A_115 : memref<16x1024xf32, #tpu.memory_space<vmem>>) offsets(%dma_start3A_117 : memref<16xi32, #tpu.memory_space<vmem>>) semaphore(%arg7 : memref<!tpu.dma_semaphore, #tpu.memory_space<semaphore_mem>>)
    %add3A_121 = arith.constant 16 : i32
    %add3A_122 = arith.addi %mul3A_2, %add3A_121 : i32
    %dma_start3A_123 = arith.constant 1 : i32
    %dma_start3A_124 = arith.constant 0 : i32
    %dma_start3A_125 = arith.constant 0 : i32
    %dma_start3A_126 = tpu.memref_slice %arg6[%dma_start3A_123, %dma_start3A_124, %dma_start3A_125] : memref<6x16x1024xf32, #tpu.memory_space<vmem>> -> memref<1x16x1024xf32, #tpu.memory_space<vmem>>
    %dma_start3A_127 = tpu.memref_squeeze %dma_start3A_126 : memref<1x16x1024xf32, #tpu.memory_space<vmem>> -> memref<16x1024xf32, #tpu.memory_space<vmem>>
    %dma_start3A_128 = arith.constant 0 : i32
    %dma_start3A_129 = tpu.memref_slice %arg4[%add3A_122, %dma_start3A_128] : memref<8192x1024xf32, #tpu.memory_space<hbm>> -> memref<16x1024xf32, #tpu.memory_space<hbm>>
    %dma_start3A_130 = arith.constant 0 : i32
    %dma_start3A_131 = tpu.memref_slice %arg4[%add3A_122, %dma_start3A_130] : memref<8192x1024xf32, #tpu.memory_space<hbm>> -> memref<16x1024xf32, #tpu.memory_space<hbm>>
    %dma_start3A_132 = arith.constant 0 : i32
    %dma_start3A_133 = arith.constant 0 : i32
    %dma_start3A_134 = tpu.memref_slice %arg6[%dma_start3A_123, %dma_start3A_132, %dma_start3A_133] : memref<6x16x1024xf32, #tpu.memory_space<vmem>> -> memref<1x16x1024xf32, #tpu.memory_space<vmem>>
    %dma_start3A_135 = tpu.memref_squeeze %dma_start3A_134 : memref<1x16x1024xf32, #tpu.memory_space<vmem>> -> memref<16x1024xf32, #tpu.memory_space<vmem>>
    tpu.enqueue_dma source(%dma_start3A_135 : memref<16x1024xf32, #tpu.memory_space<vmem>>) target(%dma_start3A_131 : memref<16x1024xf32, #tpu.memory_space<hbm>>) target_semaphore(%arg8 : memref<!tpu.dma_semaphore, #tpu.memory_space<semaphore_mem>>)
    %dma_wait3A_136 = arith.constant 2 : i32
    %dma_wait3A_137 = arith.constant 0 : i32
    %dma_wait3A_138 = arith.constant 0 : i32
    %dma_wait3A_139 = tpu.memref_slice %arg6[%dma_wait3A_136, %dma_wait3A_137, %dma_wait3A_138] : memref<6x16x1024xf32, #tpu.memory_space<vmem>> -> memref<1x16x1024xf32, #tpu.memory_space<vmem>>
    %dma_wait3A_140 = tpu.memref_squeeze %dma_wait3A_139 : memref<1x16x1024xf32, #tpu.memory_space<vmem>> -> memref<16x1024xf32, #tpu.memory_space<vmem>>
    %dma_wait3A_141 = arith.constant 32 : i32
    %dma_wait3A_142 = tpu.memref_slice %arg5[%dma_wait3A_141] : memref<256xi32, #tpu.memory_space<vmem>> -> memref<16xi32, #tpu.memory_space<vmem>>
    %dma_wait3A_143 = arith.constant 0 : i32
    %dma_wait3A_144 = arith.constant 0 : i32
    %dma_wait3A_145 = tpu.memref_slice %arg2[%dma_wait3A_143, %dma_wait3A_144] : memref<34816x1024xf32, #tpu.memory_space<hbm>> -> memref<34816x1024xf32, #tpu.memory_space<hbm>>
    tpu.wait_indirect_dma semaphore(%arg7 : memref<!tpu.dma_semaphore, #tpu.memory_space<semaphore_mem>>) src(%dma_wait3A_145 : memref<34816x1024xf32, #tpu.memory_space<hbm>>) dst(%dma_wait3A_140 : memref<16x1024xf32, #tpu.memory_space<vmem>>)
    %add3A_146 = arith.constant 16 : i32
    %add3A_147 = arith.addi %mul3A_2, %add3A_146 : i32
    %dma_wait3A_148 = arith.constant 1 : i32
    %dma_wait3A_149 = arith.constant 0 : i32
    %dma_wait3A_150 = arith.constant 0 : i32
    %dma_wait3A_151 = tpu.memref_slice %arg6[%dma_wait3A_148, %dma_wait3A_149, %dma_wait3A_150] : memref<6x16x1024xf32, #tpu.memory_space<vmem>> -> memref<1x16x1024xf32, #tpu.memory_space<vmem>>
    %dma_wait3A_152 = tpu.memref_squeeze %dma_wait3A_151 : memref<1x16x1024xf32, #tpu.memory_space<vmem>> -> memref<16x1024xf32, #tpu.memory_space<vmem>>
    %dma_wait3A_153 = arith.constant 0 : i32
    %dma_wait3A_154 = tpu.memref_slice %arg4[%add3A_147, %dma_wait3A_153] : memref<8192x1024xf32, #tpu.memory_space<hbm>> -> memref<16x1024xf32, #tpu.memory_space<hbm>>
    %dma_wait3A_155 = arith.constant 0 : i32
    %dma_wait3A_156 = tpu.memref_slice %arg4[%add3A_147, %dma_wait3A_155] : memref<8192x1024xf32, #tpu.memory_space<hbm>> -> memref<16x1024xf32, #tpu.memory_space<hbm>>
    %dma_wait3A_157 = arith.constant 0 : i32
    %dma_wait3A_158 = arith.constant 0 : i32
    %dma_wait3A_159 = tpu.memref_slice %arg6[%dma_wait3A_148, %dma_wait3A_157, %dma_wait3A_158] : memref<6x16x1024xf32, #tpu.memory_space<vmem>> -> memref<1x16x1024xf32, #tpu.memory_space<vmem>>
    %dma_wait3A_160 = tpu.memref_squeeze %dma_wait3A_159 : memref<1x16x1024xf32, #tpu.memory_space<vmem>> -> memref<16x1024xf32, #tpu.memory_space<vmem>>
    tpu.wait_dma2 semaphore(%arg8 : memref<!tpu.dma_semaphore, #tpu.memory_space<semaphore_mem>>) src(%dma_wait3A_160 : memref<16x1024xf32, #tpu.memory_space<vmem>>) dst(%dma_wait3A_156 : memref<16x1024xf32, #tpu.memory_space<hbm>>)
    %dma_start3A_161 = arith.constant 1 : i32
    %dma_start3A_162 = arith.constant 0 : i32
    %dma_start3A_163 = arith.constant 0 : i32
    %dma_start3A_164 = tpu.memref_slice %arg6[%dma_start3A_161, %dma_start3A_162, %dma_start3A_163] : memref<6x16x1024xf32, #tpu.memory_space<vmem>> -> memref<1x16x1024xf32, #tpu.memory_space<vmem>>
    %dma_start3A_165 = tpu.memref_squeeze %dma_start3A_164 : memref<1x16x1024xf32, #tpu.memory_space<vmem>> -> memref<16x1024xf32, #tpu.memory_space<vmem>>
    %dma_start3A_166 = arith.constant 112 : i32
    %dma_start3A_167 = tpu.memref_slice %arg5[%dma_start3A_166] : memref<256xi32, #tpu.memory_space<vmem>> -> memref<16xi32, #tpu.memory_space<vmem>>
    %dma_start3A_168 = arith.constant 0 : i32
    %dma_start3A_169 = arith.constant 0 : i32
    %dma_start3A_170 = tpu.memref_slice %arg2[%dma_start3A_168, %dma_start3A_169] : memref<34816x1024xf32, #tpu.memory_space<hbm>> -> memref<34816x1024xf32, #tpu.memory_space<hbm>>
    tpu.enqueue_indirect_dma source(%dma_start3A_170 : memref<34816x1024xf32, #tpu.memory_space<hbm>>) target(%dma_start3A_165 : memref<16x1024xf32, #tpu.memory_space<vmem>>) offsets(%dma_start3A_167 : memref<16xi32, #tpu.memory_space<vmem>>) semaphore(%arg7 : memref<!tpu.dma_semaphore, #tpu.memory_space<semaphore_mem>>)
    %add3A_171 = arith.constant 32 : i32
    %add3A_172 = arith.addi %mul3A_2, %add3A_171 : i32
    %dma_start3A_173 = arith.constant 2 : i32
    %dma_start3A_174 = arith.constant 0 : i32
    %dma_start3A_175 = arith.constant 0 : i32
    %dma_start3A_176 = tpu.memref_slice %arg6[%dma_start3A_173, %dma_start3A_174, %dma_start3A_175] : memref<6x16x1024xf32, #tpu.memory_space<vmem>> -> memref<1x16x1024xf32, #tpu.memory_space<vmem>>
    %dma_start3A_177 = tpu.memref_squeeze %dma_start3A_176 : memref<1x16x1024xf32, #tpu.memory_space<vmem>> -> memref<16x1024xf32, #tpu.memory_space<vmem>>
    %dma_start3A_178 = arith.constant 0 : i32
    %dma_start3A_179 = tpu.memref_slice %arg4[%add3A_172, %dma_start3A_178] : memref<8192x1024xf32, #tpu.memory_space<hbm>> -> memref<16x1024xf32, #tpu.memory_space<hbm>>
    %dma_start3A_180 = arith.constant 0 : i32
    %dma_start3A_181 = tpu.memref_slice %arg4[%add3A_172, %dma_start3A_180] : memref<8192x1024xf32, #tpu.memory_space<hbm>> -> memref<16x1024xf32, #tpu.memory_space<hbm>>
    %dma_start3A_182 = arith.constant 0 : i32
    %dma_start3A_183 = arith.constant 0 : i32
    %dma_start3A_184 = tpu.memref_slice %arg6[%dma_start3A_173, %dma_start3A_182, %dma_start3A_183] : memref<6x16x1024xf32, #tpu.memory_space<vmem>> -> memref<1x16x1024xf32, #tpu.memory_space<vmem>>
    %dma_start3A_185 = tpu.memref_squeeze %dma_start3A_184 : memref<1x16x1024xf32, #tpu.memory_space<vmem>> -> memref<16x1024xf32, #tpu.memory_space<vmem>>
    tpu.enqueue_dma source(%dma_start3A_185 : memref<16x1024xf32, #tpu.memory_space<vmem>>) target(%dma_start3A_181 : memref<16x1024xf32, #tpu.memory_space<hbm>>) target_semaphore(%arg8 : memref<!tpu.dma_semaphore, #tpu.memory_space<semaphore_mem>>)
    %dma_wait3A_186 = arith.constant 3 : i32
    %dma_wait3A_187 = arith.constant 0 : i32
    %dma_wait3A_188 = arith.constant 0 : i32
    %dma_wait3A_189 = tpu.memref_slice %arg6[%dma_wait3A_186, %dma_wait3A_187, %dma_wait3A_188] : memref<6x16x1024xf32, #tpu.memory_space<vmem>> -> memref<1x16x1024xf32, #tpu.memory_space<vmem>>
    %dma_wait3A_190 = tpu.memref_squeeze %dma_wait3A_189 : memref<1x16x1024xf32, #tpu.memory_space<vmem>> -> memref<16x1024xf32, #tpu.memory_space<vmem>>
    %dma_wait3A_191 = arith.constant 48 : i32
    %dma_wait3A_192 = tpu.memref_slice %arg5[%dma_wait3A_191] : memref<256xi32, #tpu.memory_space<vmem>> -> memref<16xi32, #tpu.memory_space<vmem>>
    %dma_wait3A_193 = arith.constant 0 : i32
    %dma_wait3A_194 = arith.constant 0 : i32
    %dma_wait3A_195 = tpu.memref_slice %arg2[%dma_wait3A_193, %dma_wait3A_194] : memref<34816x1024xf32, #tpu.memory_space<hbm>> -> memref<34816x1024xf32, #tpu.memory_space<hbm>>
    tpu.wait_indirect_dma semaphore(%arg7 : memref<!tpu.dma_semaphore, #tpu.memory_space<semaphore_mem>>) src(%dma_wait3A_195 : memref<34816x1024xf32, #tpu.memory_space<hbm>>) dst(%dma_wait3A_190 : memref<16x1024xf32, #tpu.memory_space<vmem>>)
    %add3A_196 = arith.constant 32 : i32
    %add3A_197 = arith.addi %mul3A_2, %add3A_196 : i32
    %dma_wait3A_198 = arith.constant 2 : i32
    %dma_wait3A_199 = arith.constant 0 : i32
    %dma_wait3A_200 = arith.constant 0 : i32
    %dma_wait3A_201 = tpu.memref_slice %arg6[%dma_wait3A_198, %dma_wait3A_199, %dma_wait3A_200] : memref<6x16x1024xf32, #tpu.memory_space<vmem>> -> memref<1x16x1024xf32, #tpu.memory_space<vmem>>
    %dma_wait3A_202 = tpu.memref_squeeze %dma_wait3A_201 : memref<1x16x1024xf32, #tpu.memory_space<vmem>> -> memref<16x1024xf32, #tpu.memory_space<vmem>>
    %dma_wait3A_203 = arith.constant 0 : i32
    %dma_wait3A_204 = tpu.memref_slice %arg4[%add3A_197, %dma_wait3A_203] : memref<8192x1024xf32, #tpu.memory_space<hbm>> -> memref<16x1024xf32, #tpu.memory_space<hbm>>
    %dma_wait3A_205 = arith.constant 0 : i32
    %dma_wait3A_206 = tpu.memref_slice %arg4[%add3A_197, %dma_wait3A_205] : memref<8192x1024xf32, #tpu.memory_space<hbm>> -> memref<16x1024xf32, #tpu.memory_space<hbm>>
    %dma_wait3A_207 = arith.constant 0 : i32
    %dma_wait3A_208 = arith.constant 0 : i32
    %dma_wait3A_209 = tpu.memref_slice %arg6[%dma_wait3A_198, %dma_wait3A_207, %dma_wait3A_208] : memref<6x16x1024xf32, #tpu.memory_space<vmem>> -> memref<1x16x1024xf32, #tpu.memory_space<vmem>>
    %dma_wait3A_210 = tpu.memref_squeeze %dma_wait3A_209 : memref<1x16x1024xf32, #tpu.memory_space<vmem>> -> memref<16x1024xf32, #tpu.memory_space<vmem>>
    tpu.wait_dma2 semaphore(%arg8 : memref<!tpu.dma_semaphore, #tpu.memory_space<semaphore_mem>>) src(%dma_wait3A_210 : memref<16x1024xf32, #tpu.memory_space<vmem>>) dst(%dma_wait3A_206 : memref<16x1024xf32, #tpu.memory_space<hbm>>)
    %dma_start3A_211 = arith.constant 2 : i32
    %dma_start3A_212 = arith.constant 0 : i32
    %dma_start3A_213 = arith.constant 0 : i32
    %dma_start3A_214 = tpu.memref_slice %arg6[%dma_start3A_211, %dma_start3A_212, %dma_start3A_213] : memref<6x16x1024xf32, #tpu.memory_space<vmem>> -> memref<1x16x1024xf32, #tpu.memory_space<vmem>>
    %dma_start3A_215 = tpu.memref_squeeze %dma_start3A_214 : memref<1x16x1024xf32, #tpu.memory_space<vmem>> -> memref<16x1024xf32, #tpu.memory_space<vmem>>
    %dma_start3A_216 = arith.constant 128 : i32
    %dma_start3A_217 = tpu.memref_slice %arg5[%dma_start3A_216] : memref<256xi32, #tpu.memory_space<vmem>> -> memref<16xi32, #tpu.memory_space<vmem>>
    %dma_start3A_218 = arith.constant 0 : i32
    %dma_start3A_219 = arith.constant 0 : i32
    %dma_start3A_220 = tpu.memref_slice %arg2[%dma_start3A_218, %dma_start3A_219] : memref<34816x1024xf32, #tpu.memory_space<hbm>> -> memref<34816x1024xf32, #tpu.memory_space<hbm>>
    tpu.enqueue_indirect_dma source(%dma_start3A_220 : memref<34816x1024xf32, #tpu.memory_space<hbm>>) target(%dma_start3A_215 : memref<16x1024xf32, #tpu.memory_space<vmem>>) offsets(%dma_start3A_217 : memref<16xi32, #tpu.memory_space<vmem>>) semaphore(%arg7 : memref<!tpu.dma_semaphore, #tpu.memory_space<semaphore_mem>>)
    %add3A_221 = arith.constant 48 : i32
    %add3A_222 = arith.addi %mul3A_2, %add3A_221 : i32
    %dma_start3A_223 = arith.constant 3 : i32
    %dma_start3A_224 = arith.constant 0 : i32
    %dma_start3A_225 = arith.constant 0 : i32
    %dma_start3A_226 = tpu.memref_slice %arg6[%dma_start3A_223, %dma_start3A_224, %dma_start3A_225] : memref<6x16x1024xf32, #tpu.memory_space<vmem>> -> memref<1x16x1024xf32, #tpu.memory_space<vmem>>
    %dma_start3A_227 = tpu.memref_squeeze %dma_start3A_226 : memref<1x16x1024xf32, #tpu.memory_space<vmem>> -> memref<16x1024xf32, #tpu.memory_space<vmem>>
    %dma_start3A_228 = arith.constant 0 : i32
    %dma_start3A_229 = tpu.memref_slice %arg4[%add3A_222, %dma_start3A_228] : memref<8192x1024xf32, #tpu.memory_space<hbm>> -> memref<16x1024xf32, #tpu.memory_space<hbm>>
    %dma_start3A_230 = arith.constant 0 : i32
    %dma_start3A_231 = tpu.memref_slice %arg4[%add3A_222, %dma_start3A_230] : memref<8192x1024xf32, #tpu.memory_space<hbm>> -> memref<16x1024xf32, #tpu.memory_space<hbm>>
    %dma_start3A_232 = arith.constant 0 : i32
    %dma_start3A_233 = arith.constant 0 : i32
    %dma_start3A_234 = tpu.memref_slice %arg6[%dma_start3A_223, %dma_start3A_232, %dma_start3A_233] : memref<6x16x1024xf32, #tpu.memory_space<vmem>> -> memref<1x16x1024xf32, #tpu.memory_space<vmem>>
    %dma_start3A_235 = tpu.memref_squeeze %dma_start3A_234 : memref<1x16x1024xf32, #tpu.memory_space<vmem>> -> memref<16x1024xf32, #tpu.memory_space<vmem>>
    tpu.enqueue_dma source(%dma_start3A_235 : memref<16x1024xf32, #tpu.memory_space<vmem>>) target(%dma_start3A_231 : memref<16x1024xf32, #tpu.memory_space<hbm>>) target_semaphore(%arg8 : memref<!tpu.dma_semaphore, #tpu.memory_space<semaphore_mem>>)
    %dma_wait3A_236 = arith.constant 4 : i32
    %dma_wait3A_237 = arith.constant 0 : i32
    %dma_wait3A_238 = arith.constant 0 : i32
    %dma_wait3A_239 = tpu.memref_slice %arg6[%dma_wait3A_236, %dma_wait3A_237, %dma_wait3A_238] : memref<6x16x1024xf32, #tpu.memory_space<vmem>> -> memref<1x16x1024xf32, #tpu.memory_space<vmem>>
    %dma_wait3A_240 = tpu.memref_squeeze %dma_wait3A_239 : memref<1x16x1024xf32, #tpu.memory_space<vmem>> -> memref<16x1024xf32, #tpu.memory_space<vmem>>
    %dma_wait3A_241 = arith.constant 64 : i32
    %dma_wait3A_242 = tpu.memref_slice %arg5[%dma_wait3A_241] : memref<256xi32, #tpu.memory_space<vmem>> -> memref<16xi32, #tpu.memory_space<vmem>>
    %dma_wait3A_243 = arith.constant 0 : i32
    %dma_wait3A_244 = arith.constant 0 : i32
    %dma_wait3A_245 = tpu.memref_slice %arg2[%dma_wait3A_243, %dma_wait3A_244] : memref<34816x1024xf32, #tpu.memory_space<hbm>> -> memref<34816x1024xf32, #tpu.memory_space<hbm>>
    tpu.wait_indirect_dma semaphore(%arg7 : memref<!tpu.dma_semaphore, #tpu.memory_space<semaphore_mem>>) src(%dma_wait3A_245 : memref<34816x1024xf32, #tpu.memory_space<hbm>>) dst(%dma_wait3A_240 : memref<16x1024xf32, #tpu.memory_space<vmem>>)
    %add3A_246 = arith.constant 48 : i32
    %add3A_247 = arith.addi %mul3A_2, %add3A_246 : i32
    %dma_wait3A_248 = arith.constant 3 : i32
    %dma_wait3A_249 = arith.constant 0 : i32
    %dma_wait3A_250 = arith.constant 0 : i32
    %dma_wait3A_251 = tpu.memref_slice %arg6[%dma_wait3A_248, %dma_wait3A_249, %dma_wait3A_250] : memref<6x16x1024xf32, #tpu.memory_space<vmem>> -> memref<1x16x1024xf32, #tpu.memory_space<vmem>>
    %dma_wait3A_252 = tpu.memref_squeeze %dma_wait3A_251 : memref<1x16x1024xf32, #tpu.memory_space<vmem>> -> memref<16x1024xf32, #tpu.memory_space<vmem>>
    %dma_wait3A_253 = arith.constant 0 : i32
    %dma_wait3A_254 = tpu.memref_slice %arg4[%add3A_247, %dma_wait3A_253] : memref<8192x1024xf32, #tpu.memory_space<hbm>> -> memref<16x1024xf32, #tpu.memory_space<hbm>>
    %dma_wait3A_255 = arith.constant 0 : i32
    %dma_wait3A_256 = tpu.memref_slice %arg4[%add3A_247, %dma_wait3A_255] : memref<8192x1024xf32, #tpu.memory_space<hbm>> -> memref<16x1024xf32, #tpu.memory_space<hbm>>
    %dma_wait3A_257 = arith.constant 0 : i32
    %dma_wait3A_258 = arith.constant 0 : i32
    %dma_wait3A_259 = tpu.memref_slice %arg6[%dma_wait3A_248, %dma_wait3A_257, %dma_wait3A_258] : memref<6x16x1024xf32, #tpu.memory_space<vmem>> -> memref<1x16x1024xf32, #tpu.memory_space<vmem>>
    %dma_wait3A_260 = tpu.memref_squeeze %dma_wait3A_259 : memref<1x16x1024xf32, #tpu.memory_space<vmem>> -> memref<16x1024xf32, #tpu.memory_space<vmem>>
    tpu.wait_dma2 semaphore(%arg8 : memref<!tpu.dma_semaphore, #tpu.memory_space<semaphore_mem>>) src(%dma_wait3A_260 : memref<16x1024xf32, #tpu.memory_space<vmem>>) dst(%dma_wait3A_256 : memref<16x1024xf32, #tpu.memory_space<hbm>>)
    %dma_start3A_261 = arith.constant 3 : i32
    %dma_start3A_262 = arith.constant 0 : i32
    %dma_start3A_263 = arith.constant 0 : i32
    %dma_start3A_264 = tpu.memref_slice %arg6[%dma_start3A_261, %dma_start3A_262, %dma_start3A_263] : memref<6x16x1024xf32, #tpu.memory_space<vmem>> -> memref<1x16x1024xf32, #tpu.memory_space<vmem>>
    %dma_start3A_265 = tpu.memref_squeeze %dma_start3A_264 : memref<1x16x1024xf32, #tpu.memory_space<vmem>> -> memref<16x1024xf32, #tpu.memory_space<vmem>>
    %dma_start3A_266 = arith.constant 144 : i32
    %dma_start3A_267 = tpu.memref_slice %arg5[%dma_start3A_266] : memref<256xi32, #tpu.memory_space<vmem>> -> memref<16xi32, #tpu.memory_space<vmem>>
    %dma_start3A_268 = arith.constant 0 : i32
    %dma_start3A_269 = arith.constant 0 : i32
    %dma_start3A_270 = tpu.memref_slice %arg2[%dma_start3A_268, %dma_start3A_269] : memref<34816x1024xf32, #tpu.memory_space<hbm>> -> memref<34816x1024xf32, #tpu.memory_space<hbm>>
    tpu.enqueue_indirect_dma source(%dma_start3A_270 : memref<34816x1024xf32, #tpu.memory_space<hbm>>) target(%dma_start3A_265 : memref<16x1024xf32, #tpu.memory_space<vmem>>) offsets(%dma_start3A_267 : memref<16xi32, #tpu.memory_space<vmem>>) semaphore(%arg7 : memref<!tpu.dma_semaphore, #tpu.memory_space<semaphore_mem>>)
    %add3A_271 = arith.constant 64 : i32
    %add3A_272 = arith.addi %mul3A_2, %add3A_271 : i32
    %dma_start3A_273 = arith.constant 4 : i32
    %dma_start3A_274 = arith.constant 0 : i32
    %dma_start3A_275 = arith.constant 0 : i32
    %dma_start3A_276 = tpu.memref_slice %arg6[%dma_start3A_273, %dma_start3A_274, %dma_start3A_275] : memref<6x16x1024xf32, #tpu.memory_space<vmem>> -> memref<1x16x1024xf32, #tpu.memory_space<vmem>>
    %dma_start3A_277 = tpu.memref_squeeze %dma_start3A_276 : memref<1x16x1024xf32, #tpu.memory_space<vmem>> -> memref<16x1024xf32, #tpu.memory_space<vmem>>
    %dma_start3A_278 = arith.constant 0 : i32
    %dma_start3A_279 = tpu.memref_slice %arg4[%add3A_272, %dma_start3A_278] : memref<8192x1024xf32, #tpu.memory_space<hbm>> -> memref<16x1024xf32, #tpu.memory_space<hbm>>
    %dma_start3A_280 = arith.constant 0 : i32
    %dma_start3A_281 = tpu.memref_slice %arg4[%add3A_272, %dma_start3A_280] : memref<8192x1024xf32, #tpu.memory_space<hbm>> -> memref<16x1024xf32, #tpu.memory_space<hbm>>
    %dma_start3A_282 = arith.constant 0 : i32
    %dma_start3A_283 = arith.constant 0 : i32
    %dma_start3A_284 = tpu.memref_slice %arg6[%dma_start3A_273, %dma_start3A_282, %dma_start3A_283] : memref<6x16x1024xf32, #tpu.memory_space<vmem>> -> memref<1x16x1024xf32, #tpu.memory_space<vmem>>
    %dma_start3A_285 = tpu.memref_squeeze %dma_start3A_284 : memref<1x16x1024xf32, #tpu.memory_space<vmem>> -> memref<16x1024xf32, #tpu.memory_space<vmem>>
    tpu.enqueue_dma source(%dma_start3A_285 : memref<16x1024xf32, #tpu.memory_space<vmem>>) target(%dma_start3A_281 : memref<16x1024xf32, #tpu.memory_space<hbm>>) target_semaphore(%arg8 : memref<!tpu.dma_semaphore, #tpu.memory_space<semaphore_mem>>)
    %dma_wait3A_286 = arith.constant 5 : i32
    %dma_wait3A_287 = arith.constant 0 : i32
    %dma_wait3A_288 = arith.constant 0 : i32
    %dma_wait3A_289 = tpu.memref_slice %arg6[%dma_wait3A_286, %dma_wait3A_287, %dma_wait3A_288] : memref<6x16x1024xf32, #tpu.memory_space<vmem>> -> memref<1x16x1024xf32, #tpu.memory_space<vmem>>
    %dma_wait3A_290 = tpu.memref_squeeze %dma_wait3A_289 : memref<1x16x1024xf32, #tpu.memory_space<vmem>> -> memref<16x1024xf32, #tpu.memory_space<vmem>>
    %dma_wait3A_291 = arith.constant 80 : i32
    %dma_wait3A_292 = tpu.memref_slice %arg5[%dma_wait3A_291] : memref<256xi32, #tpu.memory_space<vmem>> -> memref<16xi32, #tpu.memory_space<vmem>>
    %dma_wait3A_293 = arith.constant 0 : i32
    %dma_wait3A_294 = arith.constant 0 : i32
    %dma_wait3A_295 = tpu.memref_slice %arg2[%dma_wait3A_293, %dma_wait3A_294] : memref<34816x1024xf32, #tpu.memory_space<hbm>> -> memref<34816x1024xf32, #tpu.memory_space<hbm>>
    tpu.wait_indirect_dma semaphore(%arg7 : memref<!tpu.dma_semaphore, #tpu.memory_space<semaphore_mem>>) src(%dma_wait3A_295 : memref<34816x1024xf32, #tpu.memory_space<hbm>>) dst(%dma_wait3A_290 : memref<16x1024xf32, #tpu.memory_space<vmem>>)
    %add3A_296 = arith.constant 64 : i32
    %add3A_297 = arith.addi %mul3A_2, %add3A_296 : i32
    %dma_wait3A_298 = arith.constant 4 : i32
    %dma_wait3A_299 = arith.constant 0 : i32
    %dma_wait3A_300 = arith.constant 0 : i32
    %dma_wait3A_301 = tpu.memref_slice %arg6[%dma_wait3A_298, %dma_wait3A_299, %dma_wait3A_300] : memref<6x16x1024xf32, #tpu.memory_space<vmem>> -> memref<1x16x1024xf32, #tpu.memory_space<vmem>>
    %dma_wait3A_302 = tpu.memref_squeeze %dma_wait3A_301 : memref<1x16x1024xf32, #tpu.memory_space<vmem>> -> memref<16x1024xf32, #tpu.memory_space<vmem>>
    %dma_wait3A_303 = arith.constant 0 : i32
    %dma_wait3A_304 = tpu.memref_slice %arg4[%add3A_297, %dma_wait3A_303] : memref<8192x1024xf32, #tpu.memory_space<hbm>> -> memref<16x1024xf32, #tpu.memory_space<hbm>>
    %dma_wait3A_305 = arith.constant 0 : i32
    %dma_wait3A_306 = tpu.memref_slice %arg4[%add3A_297, %dma_wait3A_305] : memref<8192x1024xf32, #tpu.memory_space<hbm>> -> memref<16x1024xf32, #tpu.memory_space<hbm>>
    %dma_wait3A_307 = arith.constant 0 : i32
    %dma_wait3A_308 = arith.constant 0 : i32
    %dma_wait3A_309 = tpu.memref_slice %arg6[%dma_wait3A_298, %dma_wait3A_307, %dma_wait3A_308] : memref<6x16x1024xf32, #tpu.memory_space<vmem>> -> memref<1x16x1024xf32, #tpu.memory_space<vmem>>
    %dma_wait3A_310 = tpu.memref_squeeze %dma_wait3A_309 : memref<1x16x1024xf32, #tpu.memory_space<vmem>> -> memref<16x1024xf32, #tpu.memory_space<vmem>>
    tpu.wait_dma2 semaphore(%arg8 : memref<!tpu.dma_semaphore, #tpu.memory_space<semaphore_mem>>) src(%dma_wait3A_310 : memref<16x1024xf32, #tpu.memory_space<vmem>>) dst(%dma_wait3A_306 : memref<16x1024xf32, #tpu.memory_space<hbm>>)
    %dma_start3A_311 = arith.constant 4 : i32
    %dma_start3A_312 = arith.constant 0 : i32
    %dma_start3A_313 = arith.constant 0 : i32
    %dma_start3A_314 = tpu.memref_slice %arg6[%dma_start3A_311, %dma_start3A_312, %dma_start3A_313] : memref<6x16x1024xf32, #tpu.memory_space<vmem>> -> memref<1x16x1024xf32, #tpu.memory_space<vmem>>
    %dma_start3A_315 = tpu.memref_squeeze %dma_start3A_314 : memref<1x16x1024xf32, #tpu.memory_space<vmem>> -> memref<16x1024xf32, #tpu.memory_space<vmem>>
    %dma_start3A_316 = arith.constant 160 : i32
    %dma_start3A_317 = tpu.memref_slice %arg5[%dma_start3A_316] : memref<256xi32, #tpu.memory_space<vmem>> -> memref<16xi32, #tpu.memory_space<vmem>>
    %dma_start3A_318 = arith.constant 0 : i32
    %dma_start3A_319 = arith.constant 0 : i32
    %dma_start3A_320 = tpu.memref_slice %arg2[%dma_start3A_318, %dma_start3A_319] : memref<34816x1024xf32, #tpu.memory_space<hbm>> -> memref<34816x1024xf32, #tpu.memory_space<hbm>>
    tpu.enqueue_indirect_dma source(%dma_start3A_320 : memref<34816x1024xf32, #tpu.memory_space<hbm>>) target(%dma_start3A_315 : memref<16x1024xf32, #tpu.memory_space<vmem>>) offsets(%dma_start3A_317 : memref<16xi32, #tpu.memory_space<vmem>>) semaphore(%arg7 : memref<!tpu.dma_semaphore, #tpu.memory_space<semaphore_mem>>)
    %add3A_321 = arith.constant 80 : i32
    %add3A_322 = arith.addi %mul3A_2, %add3A_321 : i32
    %dma_start3A_323 = arith.constant 5 : i32
    %dma_start3A_324 = arith.constant 0 : i32
    %dma_start3A_325 = arith.constant 0 : i32
    %dma_start3A_326 = tpu.memref_slice %arg6[%dma_start3A_323, %dma_start3A_324, %dma_start3A_325] : memref<6x16x1024xf32, #tpu.memory_space<vmem>> -> memref<1x16x1024xf32, #tpu.memory_space<vmem>>
    %dma_start3A_327 = tpu.memref_squeeze %dma_start3A_326 : memref<1x16x1024xf32, #tpu.memory_space<vmem>> -> memref<16x1024xf32, #tpu.memory_space<vmem>>
    %dma_start3A_328 = arith.constant 0 : i32
    %dma_start3A_329 = tpu.memref_slice %arg4[%add3A_322, %dma_start3A_328] : memref<8192x1024xf32, #tpu.memory_space<hbm>> -> memref<16x1024xf32, #tpu.memory_space<hbm>>
    %dma_start3A_330 = arith.constant 0 : i32
    %dma_start3A_331 = tpu.memref_slice %arg4[%add3A_322, %dma_start3A_330] : memref<8192x1024xf32, #tpu.memory_space<hbm>> -> memref<16x1024xf32, #tpu.memory_space<hbm>>
    %dma_start3A_332 = arith.constant 0 : i32
    %dma_start3A_333 = arith.constant 0 : i32
    %dma_start3A_334 = tpu.memref_slice %arg6[%dma_start3A_323, %dma_start3A_332, %dma_start3A_333] : memref<6x16x1024xf32, #tpu.memory_space<vmem>> -> memref<1x16x1024xf32, #tpu.memory_space<vmem>>
    %dma_start3A_335 = tpu.memref_squeeze %dma_start3A_334 : memref<1x16x1024xf32, #tpu.memory_space<vmem>> -> memref<16x1024xf32, #tpu.memory_space<vmem>>
    tpu.enqueue_dma source(%dma_start3A_335 : memref<16x1024xf32, #tpu.memory_space<vmem>>) target(%dma_start3A_331 : memref<16x1024xf32, #tpu.memory_space<hbm>>) target_semaphore(%arg8 : memref<!tpu.dma_semaphore, #tpu.memory_space<semaphore_mem>>)
    %dma_wait3A_336 = arith.constant 0 : i32
    %dma_wait3A_337 = arith.constant 0 : i32
    %dma_wait3A_338 = arith.constant 0 : i32
    %dma_wait3A_339 = tpu.memref_slice %arg6[%dma_wait3A_336, %dma_wait3A_337, %dma_wait3A_338] : memref<6x16x1024xf32, #tpu.memory_space<vmem>> -> memref<1x16x1024xf32, #tpu.memory_space<vmem>>
    %dma_wait3A_340 = tpu.memref_squeeze %dma_wait3A_339 : memref<1x16x1024xf32, #tpu.memory_space<vmem>> -> memref<16x1024xf32, #tpu.memory_space<vmem>>
    %dma_wait3A_341 = arith.constant 96 : i32
    %dma_wait3A_342 = tpu.memref_slice %arg5[%dma_wait3A_341] : memref<256xi32, #tpu.memory_space<vmem>> -> memref<16xi32, #tpu.memory_space<vmem>>
    %dma_wait3A_343 = arith.constant 0 : i32
    %dma_wait3A_344 = arith.constant 0 : i32
    %dma_wait3A_345 = tpu.memref_slice %arg2[%dma_wait3A_343, %dma_wait3A_344] : memref<34816x1024xf32, #tpu.memory_space<hbm>> -> memref<34816x1024xf32, #tpu.memory_space<hbm>>
    tpu.wait_indirect_dma semaphore(%arg7 : memref<!tpu.dma_semaphore, #tpu.memory_space<semaphore_mem>>) src(%dma_wait3A_345 : memref<34816x1024xf32, #tpu.memory_space<hbm>>) dst(%dma_wait3A_340 : memref<16x1024xf32, #tpu.memory_space<vmem>>)
    %add3A_346 = arith.constant 80 : i32
    %add3A_347 = arith.addi %mul3A_2, %add3A_346 : i32
    %dma_wait3A_348 = arith.constant 5 : i32
    %dma_wait3A_349 = arith.constant 0 : i32
    %dma_wait3A_350 = arith.constant 0 : i32
    %dma_wait3A_351 = tpu.memref_slice %arg6[%dma_wait3A_348, %dma_wait3A_349, %dma_wait3A_350] : memref<6x16x1024xf32, #tpu.memory_space<vmem>> -> memref<1x16x1024xf32, #tpu.memory_space<vmem>>
    %dma_wait3A_352 = tpu.memref_squeeze %dma_wait3A_351 : memref<1x16x1024xf32, #tpu.memory_space<vmem>> -> memref<16x1024xf32, #tpu.memory_space<vmem>>
    %dma_wait3A_353 = arith.constant 0 : i32
    %dma_wait3A_354 = tpu.memref_slice %arg4[%add3A_347, %dma_wait3A_353] : memref<8192x1024xf32, #tpu.memory_space<hbm>> -> memref<16x1024xf32, #tpu.memory_space<hbm>>
    %dma_wait3A_355 = arith.constant 0 : i32
    %dma_wait3A_356 = tpu.memref_slice %arg4[%add3A_347, %dma_wait3A_355] : memref<8192x1024xf32, #tpu.memory_space<hbm>> -> memref<16x1024xf32, #tpu.memory_space<hbm>>
    %dma_wait3A_357 = arith.constant 0 : i32
    %dma_wait3A_358 = arith.constant 0 : i32
    %dma_wait3A_359 = tpu.memref_slice %arg6[%dma_wait3A_348, %dma_wait3A_357, %dma_wait3A_358] : memref<6x16x1024xf32, #tpu.memory_space<vmem>> -> memref<1x16x1024xf32, #tpu.memory_space<vmem>>
    %dma_wait3A_360 = tpu.memref_squeeze %dma_wait3A_359 : memref<1x16x1024xf32, #tpu.memory_space<vmem>> -> memref<16x1024xf32, #tpu.memory_space<vmem>>
    tpu.wait_dma2 semaphore(%arg8 : memref<!tpu.dma_semaphore, #tpu.memory_space<semaphore_mem>>) src(%dma_wait3A_360 : memref<16x1024xf32, #tpu.memory_space<vmem>>) dst(%dma_wait3A_356 : memref<16x1024xf32, #tpu.memory_space<hbm>>)
    %dma_start3A_361 = arith.constant 5 : i32
    %dma_start3A_362 = arith.constant 0 : i32
    %dma_start3A_363 = arith.constant 0 : i32
    %dma_start3A_364 = tpu.memref_slice %arg6[%dma_start3A_361, %dma_start3A_362, %dma_start3A_363] : memref<6x16x1024xf32, #tpu.memory_space<vmem>> -> memref<1x16x1024xf32, #tpu.memory_space<vmem>>
    %dma_start3A_365 = tpu.memref_squeeze %dma_start3A_364 : memref<1x16x1024xf32, #tpu.memory_space<vmem>> -> memref<16x1024xf32, #tpu.memory_space<vmem>>
    %dma_start3A_366 = arith.constant 176 : i32
    %dma_start3A_367 = tpu.memref_slice %arg5[%dma_start3A_366] : memref<256xi32, #tpu.memory_space<vmem>> -> memref<16xi32, #tpu.memory_space<vmem>>
    %dma_start3A_368 = arith.constant 0 : i32
    %dma_start3A_369 = arith.constant 0 : i32
    %dma_start3A_370 = tpu.memref_slice %arg2[%dma_start3A_368, %dma_start3A_369] : memref<34816x1024xf32, #tpu.memory_space<hbm>> -> memref<34816x1024xf32, #tpu.memory_space<hbm>>
    tpu.enqueue_indirect_dma source(%dma_start3A_370 : memref<34816x1024xf32, #tpu.memory_space<hbm>>) target(%dma_start3A_365 : memref<16x1024xf32, #tpu.memory_space<vmem>>) offsets(%dma_start3A_367 : memref<16xi32, #tpu.memory_space<vmem>>) semaphore(%arg7 : memref<!tpu.dma_semaphore, #tpu.memory_space<semaphore_mem>>)
    %add3A_371 = arith.constant 96 : i32
    %add3A_372 = arith.addi %mul3A_2, %add3A_371 : i32
    %dma_start3A_373 = arith.constant 0 : i32
    %dma_start3A_374 = arith.constant 0 : i32
    %dma_start3A_375 = arith.constant 0 : i32
    %dma_start3A_376 = tpu.memref_slice %arg6[%dma_start3A_373, %dma_start3A_374, %dma_start3A_375] : memref<6x16x1024xf32, #tpu.memory_space<vmem>> -> memref<1x16x1024xf32, #tpu.memory_space<vmem>>
    %dma_start3A_377 = tpu.memref_squeeze %dma_start3A_376 : memref<1x16x1024xf32, #tpu.memory_space<vmem>> -> memref<16x1024xf32, #tpu.memory_space<vmem>>
    %dma_start3A_378 = arith.constant 0 : i32
    %dma_start3A_379 = tpu.memref_slice %arg4[%add3A_372, %dma_start3A_378] : memref<8192x1024xf32, #tpu.memory_space<hbm>> -> memref<16x1024xf32, #tpu.memory_space<hbm>>
    %dma_start3A_380 = arith.constant 0 : i32
    %dma_start3A_381 = tpu.memref_slice %arg4[%add3A_372, %dma_start3A_380] : memref<8192x1024xf32, #tpu.memory_space<hbm>> -> memref<16x1024xf32, #tpu.memory_space<hbm>>
    %dma_start3A_382 = arith.constant 0 : i32
    %dma_start3A_383 = arith.constant 0 : i32
    %dma_start3A_384 = tpu.memref_slice %arg6[%dma_start3A_373, %dma_start3A_382, %dma_start3A_383] : memref<6x16x1024xf32, #tpu.memory_space<vmem>> -> memref<1x16x1024xf32, #tpu.memory_space<vmem>>
    %dma_start3A_385 = tpu.memref_squeeze %dma_start3A_384 : memref<1x16x1024xf32, #tpu.memory_space<vmem>> -> memref<16x1024xf32, #tpu.memory_space<vmem>>
    tpu.enqueue_dma source(%dma_start3A_385 : memref<16x1024xf32, #tpu.memory_space<vmem>>) target(%dma_start3A_381 : memref<16x1024xf32, #tpu.memory_space<hbm>>) target_semaphore(%arg8 : memref<!tpu.dma_semaphore, #tpu.memory_space<semaphore_mem>>)
    %dma_wait3A_386 = arith.constant 1 : i32
    %dma_wait3A_387 = arith.constant 0 : i32
    %dma_wait3A_388 = arith.constant 0 : i32
    %dma_wait3A_389 = tpu.memref_slice %arg6[%dma_wait3A_386, %dma_wait3A_387, %dma_wait3A_388] : memref<6x16x1024xf32, #tpu.memory_space<vmem>> -> memref<1x16x1024xf32, #tpu.memory_space<vmem>>
    %dma_wait3A_390 = tpu.memref_squeeze %dma_wait3A_389 : memref<1x16x1024xf32, #tpu.memory_space<vmem>> -> memref<16x1024xf32, #tpu.memory_space<vmem>>
    %dma_wait3A_391 = arith.constant 112 : i32
    %dma_wait3A_392 = tpu.memref_slice %arg5[%dma_wait3A_391] : memref<256xi32, #tpu.memory_space<vmem>> -> memref<16xi32, #tpu.memory_space<vmem>>
    %dma_wait3A_393 = arith.constant 0 : i32
    %dma_wait3A_394 = arith.constant 0 : i32
    %dma_wait3A_395 = tpu.memref_slice %arg2[%dma_wait3A_393, %dma_wait3A_394] : memref<34816x1024xf32, #tpu.memory_space<hbm>> -> memref<34816x1024xf32, #tpu.memory_space<hbm>>
    tpu.wait_indirect_dma semaphore(%arg7 : memref<!tpu.dma_semaphore, #tpu.memory_space<semaphore_mem>>) src(%dma_wait3A_395 : memref<34816x1024xf32, #tpu.memory_space<hbm>>) dst(%dma_wait3A_390 : memref<16x1024xf32, #tpu.memory_space<vmem>>)
    %add3A_396 = arith.constant 96 : i32
    %add3A_397 = arith.addi %mul3A_2, %add3A_396 : i32
    %dma_wait3A_398 = arith.constant 0 : i32
    %dma_wait3A_399 = arith.constant 0 : i32
    %dma_wait3A_400 = arith.constant 0 : i32
    %dma_wait3A_401 = tpu.memref_slice %arg6[%dma_wait3A_398, %dma_wait3A_399, %dma_wait3A_400] : memref<6x16x1024xf32, #tpu.memory_space<vmem>> -> memref<1x16x1024xf32, #tpu.memory_space<vmem>>
    %dma_wait3A_402 = tpu.memref_squeeze %dma_wait3A_401 : memref<1x16x1024xf32, #tpu.memory_space<vmem>> -> memref<16x1024xf32, #tpu.memory_space<vmem>>
    %dma_wait3A_403 = arith.constant 0 : i32
    %dma_wait3A_404 = tpu.memref_slice %arg4[%add3A_397, %dma_wait3A_403] : memref<8192x1024xf32, #tpu.memory_space<hbm>> -> memref<16x1024xf32, #tpu.memory_space<hbm>>
    %dma_wait3A_405 = arith.constant 0 : i32
    %dma_wait3A_406 = tpu.memref_slice %arg4[%add3A_397, %dma_wait3A_405] : memref<8192x1024xf32, #tpu.memory_space<hbm>> -> memref<16x1024xf32, #tpu.memory_space<hbm>>
    %dma_wait3A_407 = arith.constant 0 : i32
    %dma_wait3A_408 = arith.constant 0 : i32
    %dma_wait3A_409 = tpu.memref_slice %arg6[%dma_wait3A_398, %dma_wait3A_407, %dma_wait3A_408] : memref<6x16x1024xf32, #tpu.memory_space<vmem>> -> memref<1x16x1024xf32, #tpu.memory_space<vmem>>
    %dma_wait3A_410 = tpu.memref_squeeze %dma_wait3A_409 : memref<1x16x1024xf32, #tpu.memory_space<vmem>> -> memref<16x1024xf32, #tpu.memory_space<vmem>>
    tpu.wait_dma2 semaphore(%arg8 : memref<!tpu.dma_semaphore, #tpu.memory_space<semaphore_mem>>) src(%dma_wait3A_410 : memref<16x1024xf32, #tpu.memory_space<vmem>>) dst(%dma_wait3A_406 : memref<16x1024xf32, #tpu.memory_space<hbm>>)
    %dma_start3A_411 = arith.constant 0 : i32
    %dma_start3A_412 = arith.constant 0 : i32
    %dma_start3A_413 = arith.constant 0 : i32
    %dma_start3A_414 = tpu.memref_slice %arg6[%dma_start3A_411, %dma_start3A_412, %dma_start3A_413] : memref<6x16x1024xf32, #tpu.memory_space<vmem>> -> memref<1x16x1024xf32, #tpu.memory_space<vmem>>
    %dma_start3A_415 = tpu.memref_squeeze %dma_start3A_414 : memref<1x16x1024xf32, #tpu.memory_space<vmem>> -> memref<16x1024xf32, #tpu.memory_space<vmem>>
    %dma_start3A_416 = arith.constant 192 : i32
    %dma_start3A_417 = tpu.memref_slice %arg5[%dma_start3A_416] : memref<256xi32, #tpu.memory_space<vmem>> -> memref<16xi32, #tpu.memory_space<vmem>>
    %dma_start3A_418 = arith.constant 0 : i32
    %dma_start3A_419 = arith.constant 0 : i32
    %dma_start3A_420 = tpu.memref_slice %arg2[%dma_start3A_418, %dma_start3A_419] : memref<34816x1024xf32, #tpu.memory_space<hbm>> -> memref<34816x1024xf32, #tpu.memory_space<hbm>>
    tpu.enqueue_indirect_dma source(%dma_start3A_420 : memref<34816x1024xf32, #tpu.memory_space<hbm>>) target(%dma_start3A_415 : memref<16x1024xf32, #tpu.memory_space<vmem>>) offsets(%dma_start3A_417 : memref<16xi32, #tpu.memory_space<vmem>>) semaphore(%arg7 : memref<!tpu.dma_semaphore, #tpu.memory_space<semaphore_mem>>)
    %add3A_421 = arith.constant 112 : i32
    %add3A_422 = arith.addi %mul3A_2, %add3A_421 : i32
    %dma_start3A_423 = arith.constant 1 : i32
    %dma_start3A_424 = arith.constant 0 : i32
    %dma_start3A_425 = arith.constant 0 : i32
    %dma_start3A_426 = tpu.memref_slice %arg6[%dma_start3A_423, %dma_start3A_424, %dma_start3A_425] : memref<6x16x1024xf32, #tpu.memory_space<vmem>> -> memref<1x16x1024xf32, #tpu.memory_space<vmem>>
    %dma_start3A_427 = tpu.memref_squeeze %dma_start3A_426 : memref<1x16x1024xf32, #tpu.memory_space<vmem>> -> memref<16x1024xf32, #tpu.memory_space<vmem>>
    %dma_start3A_428 = arith.constant 0 : i32
    %dma_start3A_429 = tpu.memref_slice %arg4[%add3A_422, %dma_start3A_428] : memref<8192x1024xf32, #tpu.memory_space<hbm>> -> memref<16x1024xf32, #tpu.memory_space<hbm>>
    %dma_start3A_430 = arith.constant 0 : i32
    %dma_start3A_431 = tpu.memref_slice %arg4[%add3A_422, %dma_start3A_430] : memref<8192x1024xf32, #tpu.memory_space<hbm>> -> memref<16x1024xf32, #tpu.memory_space<hbm>>
    %dma_start3A_432 = arith.constant 0 : i32
    %dma_start3A_433 = arith.constant 0 : i32
    %dma_start3A_434 = tpu.memref_slice %arg6[%dma_start3A_423, %dma_start3A_432, %dma_start3A_433] : memref<6x16x1024xf32, #tpu.memory_space<vmem>> -> memref<1x16x1024xf32, #tpu.memory_space<vmem>>
    %dma_start3A_435 = tpu.memref_squeeze %dma_start3A_434 : memref<1x16x1024xf32, #tpu.memory_space<vmem>> -> memref<16x1024xf32, #tpu.memory_space<vmem>>
    tpu.enqueue_dma source(%dma_start3A_435 : memref<16x1024xf32, #tpu.memory_space<vmem>>) target(%dma_start3A_431 : memref<16x1024xf32, #tpu.memory_space<hbm>>) target_semaphore(%arg8 : memref<!tpu.dma_semaphore, #tpu.memory_space<semaphore_mem>>)
    %dma_wait3A_436 = arith.constant 2 : i32
    %dma_wait3A_437 = arith.constant 0 : i32
    %dma_wait3A_438 = arith.constant 0 : i32
    %dma_wait3A_439 = tpu.memref_slice %arg6[%dma_wait3A_436, %dma_wait3A_437, %dma_wait3A_438] : memref<6x16x1024xf32, #tpu.memory_space<vmem>> -> memref<1x16x1024xf32, #tpu.memory_space<vmem>>
    %dma_wait3A_440 = tpu.memref_squeeze %dma_wait3A_439 : memref<1x16x1024xf32, #tpu.memory_space<vmem>> -> memref<16x1024xf32, #tpu.memory_space<vmem>>
    %dma_wait3A_441 = arith.constant 128 : i32
    %dma_wait3A_442 = tpu.memref_slice %arg5[%dma_wait3A_441] : memref<256xi32, #tpu.memory_space<vmem>> -> memref<16xi32, #tpu.memory_space<vmem>>
    %dma_wait3A_443 = arith.constant 0 : i32
    %dma_wait3A_444 = arith.constant 0 : i32
    %dma_wait3A_445 = tpu.memref_slice %arg2[%dma_wait3A_443, %dma_wait3A_444] : memref<34816x1024xf32, #tpu.memory_space<hbm>> -> memref<34816x1024xf32, #tpu.memory_space<hbm>>
    tpu.wait_indirect_dma semaphore(%arg7 : memref<!tpu.dma_semaphore, #tpu.memory_space<semaphore_mem>>) src(%dma_wait3A_445 : memref<34816x1024xf32, #tpu.memory_space<hbm>>) dst(%dma_wait3A_440 : memref<16x1024xf32, #tpu.memory_space<vmem>>)
    %add3A_446 = arith.constant 112 : i32
    %add3A_447 = arith.addi %mul3A_2, %add3A_446 : i32
    %dma_wait3A_448 = arith.constant 1 : i32
    %dma_wait3A_449 = arith.constant 0 : i32
    %dma_wait3A_450 = arith.constant 0 : i32
    %dma_wait3A_451 = tpu.memref_slice %arg6[%dma_wait3A_448, %dma_wait3A_449, %dma_wait3A_450] : memref<6x16x1024xf32, #tpu.memory_space<vmem>> -> memref<1x16x1024xf32, #tpu.memory_space<vmem>>
    %dma_wait3A_452 = tpu.memref_squeeze %dma_wait3A_451 : memref<1x16x1024xf32, #tpu.memory_space<vmem>> -> memref<16x1024xf32, #tpu.memory_space<vmem>>
    %dma_wait3A_453 = arith.constant 0 : i32
    %dma_wait3A_454 = tpu.memref_slice %arg4[%add3A_447, %dma_wait3A_453] : memref<8192x1024xf32, #tpu.memory_space<hbm>> -> memref<16x1024xf32, #tpu.memory_space<hbm>>
    %dma_wait3A_455 = arith.constant 0 : i32
    %dma_wait3A_456 = tpu.memref_slice %arg4[%add3A_447, %dma_wait3A_455] : memref<8192x1024xf32, #tpu.memory_space<hbm>> -> memref<16x1024xf32, #tpu.memory_space<hbm>>
    %dma_wait3A_457 = arith.constant 0 : i32
    %dma_wait3A_458 = arith.constant 0 : i32
    %dma_wait3A_459 = tpu.memref_slice %arg6[%dma_wait3A_448, %dma_wait3A_457, %dma_wait3A_458] : memref<6x16x1024xf32, #tpu.memory_space<vmem>> -> memref<1x16x1024xf32, #tpu.memory_space<vmem>>
    %dma_wait3A_460 = tpu.memref_squeeze %dma_wait3A_459 : memref<1x16x1024xf32, #tpu.memory_space<vmem>> -> memref<16x1024xf32, #tpu.memory_space<vmem>>
    tpu.wait_dma2 semaphore(%arg8 : memref<!tpu.dma_semaphore, #tpu.memory_space<semaphore_mem>>) src(%dma_wait3A_460 : memref<16x1024xf32, #tpu.memory_space<vmem>>) dst(%dma_wait3A_456 : memref<16x1024xf32, #tpu.memory_space<hbm>>)
    %dma_start3A_461 = arith.constant 1 : i32
    %dma_start3A_462 = arith.constant 0 : i32
    %dma_start3A_463 = arith.constant 0 : i32
    %dma_start3A_464 = tpu.memref_slice %arg6[%dma_start3A_461, %dma_start3A_462, %dma_start3A_463] : memref<6x16x1024xf32, #tpu.memory_space<vmem>> -> memref<1x16x1024xf32, #tpu.memory_space<vmem>>
    %dma_start3A_465 = tpu.memref_squeeze %dma_start3A_464 : memref<1x16x1024xf32, #tpu.memory_space<vmem>> -> memref<16x1024xf32, #tpu.memory_space<vmem>>
    %dma_start3A_466 = arith.constant 208 : i32
    %dma_start3A_467 = tpu.memref_slice %arg5[%dma_start3A_466] : memref<256xi32, #tpu.memory_space<vmem>> -> memref<16xi32, #tpu.memory_space<vmem>>
    %dma_start3A_468 = arith.constant 0 : i32
    %dma_start3A_469 = arith.constant 0 : i32
    %dma_start3A_470 = tpu.memref_slice %arg2[%dma_start3A_468, %dma_start3A_469] : memref<34816x1024xf32, #tpu.memory_space<hbm>> -> memref<34816x1024xf32, #tpu.memory_space<hbm>>
    tpu.enqueue_indirect_dma source(%dma_start3A_470 : memref<34816x1024xf32, #tpu.memory_space<hbm>>) target(%dma_start3A_465 : memref<16x1024xf32, #tpu.memory_space<vmem>>) offsets(%dma_start3A_467 : memref<16xi32, #tpu.memory_space<vmem>>) semaphore(%arg7 : memref<!tpu.dma_semaphore, #tpu.memory_space<semaphore_mem>>)
    %add3A_471 = arith.constant 128 : i32
    %add3A_472 = arith.addi %mul3A_2, %add3A_471 : i32
    %dma_start3A_473 = arith.constant 2 : i32
    %dma_start3A_474 = arith.constant 0 : i32
    %dma_start3A_475 = arith.constant 0 : i32
    %dma_start3A_476 = tpu.memref_slice %arg6[%dma_start3A_473, %dma_start3A_474, %dma_start3A_475] : memref<6x16x1024xf32, #tpu.memory_space<vmem>> -> memref<1x16x1024xf32, #tpu.memory_space<vmem>>
    %dma_start3A_477 = tpu.memref_squeeze %dma_start3A_476 : memref<1x16x1024xf32, #tpu.memory_space<vmem>> -> memref<16x1024xf32, #tpu.memory_space<vmem>>
    %dma_start3A_478 = arith.constant 0 : i32
    %dma_start3A_479 = tpu.memref_slice %arg4[%add3A_472, %dma_start3A_478] : memref<8192x1024xf32, #tpu.memory_space<hbm>> -> memref<16x1024xf32, #tpu.memory_space<hbm>>
    %dma_start3A_480 = arith.constant 0 : i32
    %dma_start3A_481 = tpu.memref_slice %arg4[%add3A_472, %dma_start3A_480] : memref<8192x1024xf32, #tpu.memory_space<hbm>> -> memref<16x1024xf32, #tpu.memory_space<hbm>>
    %dma_start3A_482 = arith.constant 0 : i32
    %dma_start3A_483 = arith.constant 0 : i32
    %dma_start3A_484 = tpu.memref_slice %arg6[%dma_start3A_473, %dma_start3A_482, %dma_start3A_483] : memref<6x16x1024xf32, #tpu.memory_space<vmem>> -> memref<1x16x1024xf32, #tpu.memory_space<vmem>>
    %dma_start3A_485 = tpu.memref_squeeze %dma_start3A_484 : memref<1x16x1024xf32, #tpu.memory_space<vmem>> -> memref<16x1024xf32, #tpu.memory_space<vmem>>
    tpu.enqueue_dma source(%dma_start3A_485 : memref<16x1024xf32, #tpu.memory_space<vmem>>) target(%dma_start3A_481 : memref<16x1024xf32, #tpu.memory_space<hbm>>) target_semaphore(%arg8 : memref<!tpu.dma_semaphore, #tpu.memory_space<semaphore_mem>>)
    %dma_wait3A_486 = arith.constant 3 : i32
    %dma_wait3A_487 = arith.constant 0 : i32
    %dma_wait3A_488 = arith.constant 0 : i32
    %dma_wait3A_489 = tpu.memref_slice %arg6[%dma_wait3A_486, %dma_wait3A_487, %dma_wait3A_488] : memref<6x16x1024xf32, #tpu.memory_space<vmem>> -> memref<1x16x1024xf32, #tpu.memory_space<vmem>>
    %dma_wait3A_490 = tpu.memref_squeeze %dma_wait3A_489 : memref<1x16x1024xf32, #tpu.memory_space<vmem>> -> memref<16x1024xf32, #tpu.memory_space<vmem>>
    %dma_wait3A_491 = arith.constant 144 : i32
    %dma_wait3A_492 = tpu.memref_slice %arg5[%dma_wait3A_491] : memref<256xi32, #tpu.memory_space<vmem>> -> memref<16xi32, #tpu.memory_space<vmem>>
    %dma_wait3A_493 = arith.constant 0 : i32
    %dma_wait3A_494 = arith.constant 0 : i32
    %dma_wait3A_495 = tpu.memref_slice %arg2[%dma_wait3A_493, %dma_wait3A_494] : memref<34816x1024xf32, #tpu.memory_space<hbm>> -> memref<34816x1024xf32, #tpu.memory_space<hbm>>
    tpu.wait_indirect_dma semaphore(%arg7 : memref<!tpu.dma_semaphore, #tpu.memory_space<semaphore_mem>>) src(%dma_wait3A_495 : memref<34816x1024xf32, #tpu.memory_space<hbm>>) dst(%dma_wait3A_490 : memref<16x1024xf32, #tpu.memory_space<vmem>>)
    %add3A_496 = arith.constant 128 : i32
    %add3A_497 = arith.addi %mul3A_2, %add3A_496 : i32
    %dma_wait3A_498 = arith.constant 2 : i32
    %dma_wait3A_499 = arith.constant 0 : i32
    %dma_wait3A_500 = arith.constant 0 : i32
    %dma_wait3A_501 = tpu.memref_slice %arg6[%dma_wait3A_498, %dma_wait3A_499, %dma_wait3A_500] : memref<6x16x1024xf32, #tpu.memory_space<vmem>> -> memref<1x16x1024xf32, #tpu.memory_space<vmem>>
    %dma_wait3A_502 = tpu.memref_squeeze %dma_wait3A_501 : memref<1x16x1024xf32, #tpu.memory_space<vmem>> -> memref<16x1024xf32, #tpu.memory_space<vmem>>
    %dma_wait3A_503 = arith.constant 0 : i32
    %dma_wait3A_504 = tpu.memref_slice %arg4[%add3A_497, %dma_wait3A_503] : memref<8192x1024xf32, #tpu.memory_space<hbm>> -> memref<16x1024xf32, #tpu.memory_space<hbm>>
    %dma_wait3A_505 = arith.constant 0 : i32
    %dma_wait3A_506 = tpu.memref_slice %arg4[%add3A_497, %dma_wait3A_505] : memref<8192x1024xf32, #tpu.memory_space<hbm>> -> memref<16x1024xf32, #tpu.memory_space<hbm>>
    %dma_wait3A_507 = arith.constant 0 : i32
    %dma_wait3A_508 = arith.constant 0 : i32
    %dma_wait3A_509 = tpu.memref_slice %arg6[%dma_wait3A_498, %dma_wait3A_507, %dma_wait3A_508] : memref<6x16x1024xf32, #tpu.memory_space<vmem>> -> memref<1x16x1024xf32, #tpu.memory_space<vmem>>
    %dma_wait3A_510 = tpu.memref_squeeze %dma_wait3A_509 : memref<1x16x1024xf32, #tpu.memory_space<vmem>> -> memref<16x1024xf32, #tpu.memory_space<vmem>>
    tpu.wait_dma2 semaphore(%arg8 : memref<!tpu.dma_semaphore, #tpu.memory_space<semaphore_mem>>) src(%dma_wait3A_510 : memref<16x1024xf32, #tpu.memory_space<vmem>>) dst(%dma_wait3A_506 : memref<16x1024xf32, #tpu.memory_space<hbm>>)
    %dma_start3A_511 = arith.constant 2 : i32
    %dma_start3A_512 = arith.constant 0 : i32
    %dma_start3A_513 = arith.constant 0 : i32
    %dma_start3A_514 = tpu.memref_slice %arg6[%dma_start3A_511, %dma_start3A_512, %dma_start3A_513] : memref<6x16x1024xf32, #tpu.memory_space<vmem>> -> memref<1x16x1024xf32, #tpu.memory_space<vmem>>
    %dma_start3A_515 = tpu.memref_squeeze %dma_start3A_514 : memref<1x16x1024xf32, #tpu.memory_space<vmem>> -> memref<16x1024xf32, #tpu.memory_space<vmem>>
    %dma_start3A_516 = arith.constant 224 : i32
    %dma_start3A_517 = tpu.memref_slice %arg5[%dma_start3A_516] : memref<256xi32, #tpu.memory_space<vmem>> -> memref<16xi32, #tpu.memory_space<vmem>>
    %dma_start3A_518 = arith.constant 0 : i32
    %dma_start3A_519 = arith.constant 0 : i32
    %dma_start3A_520 = tpu.memref_slice %arg2[%dma_start3A_518, %dma_start3A_519] : memref<34816x1024xf32, #tpu.memory_space<hbm>> -> memref<34816x1024xf32, #tpu.memory_space<hbm>>
    tpu.enqueue_indirect_dma source(%dma_start3A_520 : memref<34816x1024xf32, #tpu.memory_space<hbm>>) target(%dma_start3A_515 : memref<16x1024xf32, #tpu.memory_space<vmem>>) offsets(%dma_start3A_517 : memref<16xi32, #tpu.memory_space<vmem>>) semaphore(%arg7 : memref<!tpu.dma_semaphore, #tpu.memory_space<semaphore_mem>>)
    %add3A_521 = arith.constant 144 : i32
    %add3A_522 = arith.addi %mul3A_2, %add3A_521 : i32
    %dma_start3A_523 = arith.constant 3 : i32
    %dma_start3A_524 = arith.constant 0 : i32
    %dma_start3A_525 = arith.constant 0 : i32
    %dma_start3A_526 = tpu.memref_slice %arg6[%dma_start3A_523, %dma_start3A_524, %dma_start3A_525] : memref<6x16x1024xf32, #tpu.memory_space<vmem>> -> memref<1x16x1024xf32, #tpu.memory_space<vmem>>
    %dma_start3A_527 = tpu.memref_squeeze %dma_start3A_526 : memref<1x16x1024xf32, #tpu.memory_space<vmem>> -> memref<16x1024xf32, #tpu.memory_space<vmem>>
    %dma_start3A_528 = arith.constant 0 : i32
    %dma_start3A_529 = tpu.memref_slice %arg4[%add3A_522, %dma_start3A_528] : memref<8192x1024xf32, #tpu.memory_space<hbm>> -> memref<16x1024xf32, #tpu.memory_space<hbm>>
    %dma_start3A_530 = arith.constant 0 : i32
    %dma_start3A_531 = tpu.memref_slice %arg4[%add3A_522, %dma_start3A_530] : memref<8192x1024xf32, #tpu.memory_space<hbm>> -> memref<16x1024xf32, #tpu.memory_space<hbm>>
    %dma_start3A_532 = arith.constant 0 : i32
    %dma_start3A_533 = arith.constant 0 : i32
    %dma_start3A_534 = tpu.memref_slice %arg6[%dma_start3A_523, %dma_start3A_532, %dma_start3A_533] : memref<6x16x1024xf32, #tpu.memory_space<vmem>> -> memref<1x16x1024xf32, #tpu.memory_space<vmem>>
    %dma_start3A_535 = tpu.memref_squeeze %dma_start3A_534 : memref<1x16x1024xf32, #tpu.memory_space<vmem>> -> memref<16x1024xf32, #tpu.memory_space<vmem>>
    tpu.enqueue_dma source(%dma_start3A_535 : memref<16x1024xf32, #tpu.memory_space<vmem>>) target(%dma_start3A_531 : memref<16x1024xf32, #tpu.memory_space<hbm>>) target_semaphore(%arg8 : memref<!tpu.dma_semaphore, #tpu.memory_space<semaphore_mem>>)
    %dma_wait3A_536 = arith.constant 4 : i32
    %dma_wait3A_537 = arith.constant 0 : i32
    %dma_wait3A_538 = arith.constant 0 : i32
    %dma_wait3A_539 = tpu.memref_slice %arg6[%dma_wait3A_536, %dma_wait3A_537, %dma_wait3A_538] : memref<6x16x1024xf32, #tpu.memory_space<vmem>> -> memref<1x16x1024xf32, #tpu.memory_space<vmem>>
    %dma_wait3A_540 = tpu.memref_squeeze %dma_wait3A_539 : memref<1x16x1024xf32, #tpu.memory_space<vmem>> -> memref<16x1024xf32, #tpu.memory_space<vmem>>
    %dma_wait3A_541 = arith.constant 160 : i32
    %dma_wait3A_542 = tpu.memref_slice %arg5[%dma_wait3A_541] : memref<256xi32, #tpu.memory_space<vmem>> -> memref<16xi32, #tpu.memory_space<vmem>>
    %dma_wait3A_543 = arith.constant 0 : i32
    %dma_wait3A_544 = arith.constant 0 : i32
    %dma_wait3A_545 = tpu.memref_slice %arg2[%dma_wait3A_543, %dma_wait3A_544] : memref<34816x1024xf32, #tpu.memory_space<hbm>> -> memref<34816x1024xf32, #tpu.memory_space<hbm>>
    tpu.wait_indirect_dma semaphore(%arg7 : memref<!tpu.dma_semaphore, #tpu.memory_space<semaphore_mem>>) src(%dma_wait3A_545 : memref<34816x1024xf32, #tpu.memory_space<hbm>>) dst(%dma_wait3A_540 : memref<16x1024xf32, #tpu.memory_space<vmem>>)
    %add3A_546 = arith.constant 144 : i32
    %add3A_547 = arith.addi %mul3A_2, %add3A_546 : i32
    %dma_wait3A_548 = arith.constant 3 : i32
    %dma_wait3A_549 = arith.constant 0 : i32
    %dma_wait3A_550 = arith.constant 0 : i32
    %dma_wait3A_551 = tpu.memref_slice %arg6[%dma_wait3A_548, %dma_wait3A_549, %dma_wait3A_550] : memref<6x16x1024xf32, #tpu.memory_space<vmem>> -> memref<1x16x1024xf32, #tpu.memory_space<vmem>>
    %dma_wait3A_552 = tpu.memref_squeeze %dma_wait3A_551 : memref<1x16x1024xf32, #tpu.memory_space<vmem>> -> memref<16x1024xf32, #tpu.memory_space<vmem>>
    %dma_wait3A_553 = arith.constant 0 : i32
    %dma_wait3A_554 = tpu.memref_slice %arg4[%add3A_547, %dma_wait3A_553] : memref<8192x1024xf32, #tpu.memory_space<hbm>> -> memref<16x1024xf32, #tpu.memory_space<hbm>>
    %dma_wait3A_555 = arith.constant 0 : i32
    %dma_wait3A_556 = tpu.memref_slice %arg4[%add3A_547, %dma_wait3A_555] : memref<8192x1024xf32, #tpu.memory_space<hbm>> -> memref<16x1024xf32, #tpu.memory_space<hbm>>
    %dma_wait3A_557 = arith.constant 0 : i32
    %dma_wait3A_558 = arith.constant 0 : i32
    %dma_wait3A_559 = tpu.memref_slice %arg6[%dma_wait3A_548, %dma_wait3A_557, %dma_wait3A_558] : memref<6x16x1024xf32, #tpu.memory_space<vmem>> -> memref<1x16x1024xf32, #tpu.memory_space<vmem>>
    %dma_wait3A_560 = tpu.memref_squeeze %dma_wait3A_559 : memref<1x16x1024xf32, #tpu.memory_space<vmem>> -> memref<16x1024xf32, #tpu.memory_space<vmem>>
    tpu.wait_dma2 semaphore(%arg8 : memref<!tpu.dma_semaphore, #tpu.memory_space<semaphore_mem>>) src(%dma_wait3A_560 : memref<16x1024xf32, #tpu.memory_space<vmem>>) dst(%dma_wait3A_556 : memref<16x1024xf32, #tpu.memory_space<hbm>>)
    %dma_start3A_561 = arith.constant 3 : i32
    %dma_start3A_562 = arith.constant 0 : i32
    %dma_start3A_563 = arith.constant 0 : i32
    %dma_start3A_564 = tpu.memref_slice %arg6[%dma_start3A_561, %dma_start3A_562, %dma_start3A_563] : memref<6x16x1024xf32, #tpu.memory_space<vmem>> -> memref<1x16x1024xf32, #tpu.memory_space<vmem>>
    %dma_start3A_565 = tpu.memref_squeeze %dma_start3A_564 : memref<1x16x1024xf32, #tpu.memory_space<vmem>> -> memref<16x1024xf32, #tpu.memory_space<vmem>>
    %dma_start3A_566 = arith.constant 240 : i32
    %dma_start3A_567 = tpu.memref_slice %arg5[%dma_start3A_566] : memref<256xi32, #tpu.memory_space<vmem>> -> memref<16xi32, #tpu.memory_space<vmem>>
    %dma_start3A_568 = arith.constant 0 : i32
    %dma_start3A_569 = arith.constant 0 : i32
    %dma_start3A_570 = tpu.memref_slice %arg2[%dma_start3A_568, %dma_start3A_569] : memref<34816x1024xf32, #tpu.memory_space<hbm>> -> memref<34816x1024xf32, #tpu.memory_space<hbm>>
    tpu.enqueue_indirect_dma source(%dma_start3A_570 : memref<34816x1024xf32, #tpu.memory_space<hbm>>) target(%dma_start3A_565 : memref<16x1024xf32, #tpu.memory_space<vmem>>) offsets(%dma_start3A_567 : memref<16xi32, #tpu.memory_space<vmem>>) semaphore(%arg7 : memref<!tpu.dma_semaphore, #tpu.memory_space<semaphore_mem>>)
    %add3A_571 = arith.constant 160 : i32
    %add3A_572 = arith.addi %mul3A_2, %add3A_571 : i32
    %dma_start3A_573 = arith.constant 4 : i32
    %dma_start3A_574 = arith.constant 0 : i32
    %dma_start3A_575 = arith.constant 0 : i32
    %dma_start3A_576 = tpu.memref_slice %arg6[%dma_start3A_573, %dma_start3A_574, %dma_start3A_575] : memref<6x16x1024xf32, #tpu.memory_space<vmem>> -> memref<1x16x1024xf32, #tpu.memory_space<vmem>>
    %dma_start3A_577 = tpu.memref_squeeze %dma_start3A_576 : memref<1x16x1024xf32, #tpu.memory_space<vmem>> -> memref<16x1024xf32, #tpu.memory_space<vmem>>
    %dma_start3A_578 = arith.constant 0 : i32
    %dma_start3A_579 = tpu.memref_slice %arg4[%add3A_572, %dma_start3A_578] : memref<8192x1024xf32, #tpu.memory_space<hbm>> -> memref<16x1024xf32, #tpu.memory_space<hbm>>
    %dma_start3A_580 = arith.constant 0 : i32
    %dma_start3A_581 = tpu.memref_slice %arg4[%add3A_572, %dma_start3A_580] : memref<8192x1024xf32, #tpu.memory_space<hbm>> -> memref<16x1024xf32, #tpu.memory_space<hbm>>
    %dma_start3A_582 = arith.constant 0 : i32
    %dma_start3A_583 = arith.constant 0 : i32
    %dma_start3A_584 = tpu.memref_slice %arg6[%dma_start3A_573, %dma_start3A_582, %dma_start3A_583] : memref<6x16x1024xf32, #tpu.memory_space<vmem>> -> memref<1x16x1024xf32, #tpu.memory_space<vmem>>
    %dma_start3A_585 = tpu.memref_squeeze %dma_start3A_584 : memref<1x16x1024xf32, #tpu.memory_space<vmem>> -> memref<16x1024xf32, #tpu.memory_space<vmem>>
    tpu.enqueue_dma source(%dma_start3A_585 : memref<16x1024xf32, #tpu.memory_space<vmem>>) target(%dma_start3A_581 : memref<16x1024xf32, #tpu.memory_space<hbm>>) target_semaphore(%arg8 : memref<!tpu.dma_semaphore, #tpu.memory_space<semaphore_mem>>)
    %dma_wait3A_586 = arith.constant 5 : i32
    %dma_wait3A_587 = arith.constant 0 : i32
    %dma_wait3A_588 = arith.constant 0 : i32
    %dma_wait3A_589 = tpu.memref_slice %arg6[%dma_wait3A_586, %dma_wait3A_587, %dma_wait3A_588] : memref<6x16x1024xf32, #tpu.memory_space<vmem>> -> memref<1x16x1024xf32, #tpu.memory_space<vmem>>
    %dma_wait3A_590 = tpu.memref_squeeze %dma_wait3A_589 : memref<1x16x1024xf32, #tpu.memory_space<vmem>> -> memref<16x1024xf32, #tpu.memory_space<vmem>>
    %dma_wait3A_591 = arith.constant 176 : i32
    %dma_wait3A_592 = tpu.memref_slice %arg5[%dma_wait3A_591] : memref<256xi32, #tpu.memory_space<vmem>> -> memref<16xi32, #tpu.memory_space<vmem>>
    %dma_wait3A_593 = arith.constant 0 : i32
    %dma_wait3A_594 = arith.constant 0 : i32
    %dma_wait3A_595 = tpu.memref_slice %arg2[%dma_wait3A_593, %dma_wait3A_594] : memref<34816x1024xf32, #tpu.memory_space<hbm>> -> memref<34816x1024xf32, #tpu.memory_space<hbm>>
    tpu.wait_indirect_dma semaphore(%arg7 : memref<!tpu.dma_semaphore, #tpu.memory_space<semaphore_mem>>) src(%dma_wait3A_595 : memref<34816x1024xf32, #tpu.memory_space<hbm>>) dst(%dma_wait3A_590 : memref<16x1024xf32, #tpu.memory_space<vmem>>)
    %add3A_596 = arith.constant 176 : i32
    %add3A_597 = arith.addi %mul3A_2, %add3A_596 : i32
    %dma_start3A_598 = arith.constant 5 : i32
    %dma_start3A_599 = arith.constant 0 : i32
    %dma_start3A_600 = arith.constant 0 : i32
    %dma_start3A_601 = tpu.memref_slice %arg6[%dma_start3A_598, %dma_start3A_599, %dma_start3A_600] : memref<6x16x1024xf32, #tpu.memory_space<vmem>> -> memref<1x16x1024xf32, #tpu.memory_space<vmem>>
    %dma_start3A_602 = tpu.memref_squeeze %dma_start3A_601 : memref<1x16x1024xf32, #tpu.memory_space<vmem>> -> memref<16x1024xf32, #tpu.memory_space<vmem>>
    %dma_start3A_603 = arith.constant 0 : i32
    %dma_start3A_604 = tpu.memref_slice %arg4[%add3A_597, %dma_start3A_603] : memref<8192x1024xf32, #tpu.memory_space<hbm>> -> memref<16x1024xf32, #tpu.memory_space<hbm>>
    %dma_start3A_605 = arith.constant 0 : i32
    %dma_start3A_606 = tpu.memref_slice %arg4[%add3A_597, %dma_start3A_605] : memref<8192x1024xf32, #tpu.memory_space<hbm>> -> memref<16x1024xf32, #tpu.memory_space<hbm>>
    %dma_start3A_607 = arith.constant 0 : i32
    %dma_start3A_608 = arith.constant 0 : i32
    %dma_start3A_609 = tpu.memref_slice %arg6[%dma_start3A_598, %dma_start3A_607, %dma_start3A_608] : memref<6x16x1024xf32, #tpu.memory_space<vmem>> -> memref<1x16x1024xf32, #tpu.memory_space<vmem>>
    %dma_start3A_610 = tpu.memref_squeeze %dma_start3A_609 : memref<1x16x1024xf32, #tpu.memory_space<vmem>> -> memref<16x1024xf32, #tpu.memory_space<vmem>>
    tpu.enqueue_dma source(%dma_start3A_610 : memref<16x1024xf32, #tpu.memory_space<vmem>>) target(%dma_start3A_606 : memref<16x1024xf32, #tpu.memory_space<hbm>>) target_semaphore(%arg8 : memref<!tpu.dma_semaphore, #tpu.memory_space<semaphore_mem>>)
    %dma_wait3A_611 = arith.constant 0 : i32
    %dma_wait3A_612 = arith.constant 0 : i32
    %dma_wait3A_613 = arith.constant 0 : i32
    %dma_wait3A_614 = tpu.memref_slice %arg6[%dma_wait3A_611, %dma_wait3A_612, %dma_wait3A_613] : memref<6x16x1024xf32, #tpu.memory_space<vmem>> -> memref<1x16x1024xf32, #tpu.memory_space<vmem>>
    %dma_wait3A_615 = tpu.memref_squeeze %dma_wait3A_614 : memref<1x16x1024xf32, #tpu.memory_space<vmem>> -> memref<16x1024xf32, #tpu.memory_space<vmem>>
    %dma_wait3A_616 = arith.constant 192 : i32
    %dma_wait3A_617 = tpu.memref_slice %arg5[%dma_wait3A_616] : memref<256xi32, #tpu.memory_space<vmem>> -> memref<16xi32, #tpu.memory_space<vmem>>
    %dma_wait3A_618 = arith.constant 0 : i32
    %dma_wait3A_619 = arith.constant 0 : i32
    %dma_wait3A_620 = tpu.memref_slice %arg2[%dma_wait3A_618, %dma_wait3A_619] : memref<34816x1024xf32, #tpu.memory_space<hbm>> -> memref<34816x1024xf32, #tpu.memory_space<hbm>>
    tpu.wait_indirect_dma semaphore(%arg7 : memref<!tpu.dma_semaphore, #tpu.memory_space<semaphore_mem>>) src(%dma_wait3A_620 : memref<34816x1024xf32, #tpu.memory_space<hbm>>) dst(%dma_wait3A_615 : memref<16x1024xf32, #tpu.memory_space<vmem>>)
    %add3A_621 = arith.constant 192 : i32
    %add3A_622 = arith.addi %mul3A_2, %add3A_621 : i32
    %dma_start3A_623 = arith.constant 0 : i32
    %dma_start3A_624 = arith.constant 0 : i32
    %dma_start3A_625 = arith.constant 0 : i32
    %dma_start3A_626 = tpu.memref_slice %arg6[%dma_start3A_623, %dma_start3A_624, %dma_start3A_625] : memref<6x16x1024xf32, #tpu.memory_space<vmem>> -> memref<1x16x1024xf32, #tpu.memory_space<vmem>>
    %dma_start3A_627 = tpu.memref_squeeze %dma_start3A_626 : memref<1x16x1024xf32, #tpu.memory_space<vmem>> -> memref<16x1024xf32, #tpu.memory_space<vmem>>
    %dma_start3A_628 = arith.constant 0 : i32
    %dma_start3A_629 = tpu.memref_slice %arg4[%add3A_622, %dma_start3A_628] : memref<8192x1024xf32, #tpu.memory_space<hbm>> -> memref<16x1024xf32, #tpu.memory_space<hbm>>
    %dma_start3A_630 = arith.constant 0 : i32
    %dma_start3A_631 = tpu.memref_slice %arg4[%add3A_622, %dma_start3A_630] : memref<8192x1024xf32, #tpu.memory_space<hbm>> -> memref<16x1024xf32, #tpu.memory_space<hbm>>
    %dma_start3A_632 = arith.constant 0 : i32
    %dma_start3A_633 = arith.constant 0 : i32
    %dma_start3A_634 = tpu.memref_slice %arg6[%dma_start3A_623, %dma_start3A_632, %dma_start3A_633] : memref<6x16x1024xf32, #tpu.memory_space<vmem>> -> memref<1x16x1024xf32, #tpu.memory_space<vmem>>
    %dma_start3A_635 = tpu.memref_squeeze %dma_start3A_634 : memref<1x16x1024xf32, #tpu.memory_space<vmem>> -> memref<16x1024xf32, #tpu.memory_space<vmem>>
    tpu.enqueue_dma source(%dma_start3A_635 : memref<16x1024xf32, #tpu.memory_space<vmem>>) target(%dma_start3A_631 : memref<16x1024xf32, #tpu.memory_space<hbm>>) target_semaphore(%arg8 : memref<!tpu.dma_semaphore, #tpu.memory_space<semaphore_mem>>)
    %dma_wait3A_636 = arith.constant 1 : i32
    %dma_wait3A_637 = arith.constant 0 : i32
    %dma_wait3A_638 = arith.constant 0 : i32
    %dma_wait3A_639 = tpu.memref_slice %arg6[%dma_wait3A_636, %dma_wait3A_637, %dma_wait3A_638] : memref<6x16x1024xf32, #tpu.memory_space<vmem>> -> memref<1x16x1024xf32, #tpu.memory_space<vmem>>
    %dma_wait3A_640 = tpu.memref_squeeze %dma_wait3A_639 : memref<1x16x1024xf32, #tpu.memory_space<vmem>> -> memref<16x1024xf32, #tpu.memory_space<vmem>>
    %dma_wait3A_641 = arith.constant 208 : i32
    %dma_wait3A_642 = tpu.memref_slice %arg5[%dma_wait3A_641] : memref<256xi32, #tpu.memory_space<vmem>> -> memref<16xi32, #tpu.memory_space<vmem>>
    %dma_wait3A_643 = arith.constant 0 : i32
    %dma_wait3A_644 = arith.constant 0 : i32
    %dma_wait3A_645 = tpu.memref_slice %arg2[%dma_wait3A_643, %dma_wait3A_644] : memref<34816x1024xf32, #tpu.memory_space<hbm>> -> memref<34816x1024xf32, #tpu.memory_space<hbm>>
    tpu.wait_indirect_dma semaphore(%arg7 : memref<!tpu.dma_semaphore, #tpu.memory_space<semaphore_mem>>) src(%dma_wait3A_645 : memref<34816x1024xf32, #tpu.memory_space<hbm>>) dst(%dma_wait3A_640 : memref<16x1024xf32, #tpu.memory_space<vmem>>)
    %add3A_646 = arith.constant 208 : i32
    %add3A_647 = arith.addi %mul3A_2, %add3A_646 : i32
    %dma_start3A_648 = arith.constant 1 : i32
    %dma_start3A_649 = arith.constant 0 : i32
    %dma_start3A_650 = arith.constant 0 : i32
    %dma_start3A_651 = tpu.memref_slice %arg6[%dma_start3A_648, %dma_start3A_649, %dma_start3A_650] : memref<6x16x1024xf32, #tpu.memory_space<vmem>> -> memref<1x16x1024xf32, #tpu.memory_space<vmem>>
    %dma_start3A_652 = tpu.memref_squeeze %dma_start3A_651 : memref<1x16x1024xf32, #tpu.memory_space<vmem>> -> memref<16x1024xf32, #tpu.memory_space<vmem>>
    %dma_start3A_653 = arith.constant 0 : i32
    %dma_start3A_654 = tpu.memref_slice %arg4[%add3A_647, %dma_start3A_653] : memref<8192x1024xf32, #tpu.memory_space<hbm>> -> memref<16x1024xf32, #tpu.memory_space<hbm>>
    %dma_start3A_655 = arith.constant 0 : i32
    %dma_start3A_656 = tpu.memref_slice %arg4[%add3A_647, %dma_start3A_655] : memref<8192x1024xf32, #tpu.memory_space<hbm>> -> memref<16x1024xf32, #tpu.memory_space<hbm>>
    %dma_start3A_657 = arith.constant 0 : i32
    %dma_start3A_658 = arith.constant 0 : i32
    %dma_start3A_659 = tpu.memref_slice %arg6[%dma_start3A_648, %dma_start3A_657, %dma_start3A_658] : memref<6x16x1024xf32, #tpu.memory_space<vmem>> -> memref<1x16x1024xf32, #tpu.memory_space<vmem>>
    %dma_start3A_660 = tpu.memref_squeeze %dma_start3A_659 : memref<1x16x1024xf32, #tpu.memory_space<vmem>> -> memref<16x1024xf32, #tpu.memory_space<vmem>>
    tpu.enqueue_dma source(%dma_start3A_660 : memref<16x1024xf32, #tpu.memory_space<vmem>>) target(%dma_start3A_656 : memref<16x1024xf32, #tpu.memory_space<hbm>>) target_semaphore(%arg8 : memref<!tpu.dma_semaphore, #tpu.memory_space<semaphore_mem>>)
    %dma_wait3A_661 = arith.constant 2 : i32
    %dma_wait3A_662 = arith.constant 0 : i32
    %dma_wait3A_663 = arith.constant 0 : i32
    %dma_wait3A_664 = tpu.memref_slice %arg6[%dma_wait3A_661, %dma_wait3A_662, %dma_wait3A_663] : memref<6x16x1024xf32, #tpu.memory_space<vmem>> -> memref<1x16x1024xf32, #tpu.memory_space<vmem>>
    %dma_wait3A_665 = tpu.memref_squeeze %dma_wait3A_664 : memref<1x16x1024xf32, #tpu.memory_space<vmem>> -> memref<16x1024xf32, #tpu.memory_space<vmem>>
    %dma_wait3A_666 = arith.constant 224 : i32
    %dma_wait3A_667 = tpu.memref_slice %arg5[%dma_wait3A_666] : memref<256xi32, #tpu.memory_space<vmem>> -> memref<16xi32, #tpu.memory_space<vmem>>
    %dma_wait3A_668 = arith.constant 0 : i32
    %dma_wait3A_669 = arith.constant 0 : i32
    %dma_wait3A_670 = tpu.memref_slice %arg2[%dma_wait3A_668, %dma_wait3A_669] : memref<34816x1024xf32, #tpu.memory_space<hbm>> -> memref<34816x1024xf32, #tpu.memory_space<hbm>>
    tpu.wait_indirect_dma semaphore(%arg7 : memref<!tpu.dma_semaphore, #tpu.memory_space<semaphore_mem>>) src(%dma_wait3A_670 : memref<34816x1024xf32, #tpu.memory_space<hbm>>) dst(%dma_wait3A_665 : memref<16x1024xf32, #tpu.memory_space<vmem>>)
    %add3A_671 = arith.constant 224 : i32
    %add3A_672 = arith.addi %mul3A_2, %add3A_671 : i32
    %dma_start3A_673 = arith.constant 2 : i32
    %dma_start3A_674 = arith.constant 0 : i32
    %dma_start3A_675 = arith.constant 0 : i32
    %dma_start3A_676 = tpu.memref_slice %arg6[%dma_start3A_673, %dma_start3A_674, %dma_start3A_675] : memref<6x16x1024xf32, #tpu.memory_space<vmem>> -> memref<1x16x1024xf32, #tpu.memory_space<vmem>>
    %dma_start3A_677 = tpu.memref_squeeze %dma_start3A_676 : memref<1x16x1024xf32, #tpu.memory_space<vmem>> -> memref<16x1024xf32, #tpu.memory_space<vmem>>
    %dma_start3A_678 = arith.constant 0 : i32
    %dma_start3A_679 = tpu.memref_slice %arg4[%add3A_672, %dma_start3A_678] : memref<8192x1024xf32, #tpu.memory_space<hbm>> -> memref<16x1024xf32, #tpu.memory_space<hbm>>
    %dma_start3A_680 = arith.constant 0 : i32
    %dma_start3A_681 = tpu.memref_slice %arg4[%add3A_672, %dma_start3A_680] : memref<8192x1024xf32, #tpu.memory_space<hbm>> -> memref<16x1024xf32, #tpu.memory_space<hbm>>
    %dma_start3A_682 = arith.constant 0 : i32
    %dma_start3A_683 = arith.constant 0 : i32
    %dma_start3A_684 = tpu.memref_slice %arg6[%dma_start3A_673, %dma_start3A_682, %dma_start3A_683] : memref<6x16x1024xf32, #tpu.memory_space<vmem>> -> memref<1x16x1024xf32, #tpu.memory_space<vmem>>
    %dma_start3A_685 = tpu.memref_squeeze %dma_start3A_684 : memref<1x16x1024xf32, #tpu.memory_space<vmem>> -> memref<16x1024xf32, #tpu.memory_space<vmem>>
    tpu.enqueue_dma source(%dma_start3A_685 : memref<16x1024xf32, #tpu.memory_space<vmem>>) target(%dma_start3A_681 : memref<16x1024xf32, #tpu.memory_space<hbm>>) target_semaphore(%arg8 : memref<!tpu.dma_semaphore, #tpu.memory_space<semaphore_mem>>)
    %dma_wait3A_686 = arith.constant 3 : i32
    %dma_wait3A_687 = arith.constant 0 : i32
    %dma_wait3A_688 = arith.constant 0 : i32
    %dma_wait3A_689 = tpu.memref_slice %arg6[%dma_wait3A_686, %dma_wait3A_687, %dma_wait3A_688] : memref<6x16x1024xf32, #tpu.memory_space<vmem>> -> memref<1x16x1024xf32, #tpu.memory_space<vmem>>
    %dma_wait3A_690 = tpu.memref_squeeze %dma_wait3A_689 : memref<1x16x1024xf32, #tpu.memory_space<vmem>> -> memref<16x1024xf32, #tpu.memory_space<vmem>>
    %dma_wait3A_691 = arith.constant 240 : i32
    %dma_wait3A_692 = tpu.memref_slice %arg5[%dma_wait3A_691] : memref<256xi32, #tpu.memory_space<vmem>> -> memref<16xi32, #tpu.memory_space<vmem>>
    %dma_wait3A_693 = arith.constant 0 : i32
    %dma_wait3A_694 = arith.constant 0 : i32
    %dma_wait3A_695 = tpu.memref_slice %arg2[%dma_wait3A_693, %dma_wait3A_694] : memref<34816x1024xf32, #tpu.memory_space<hbm>> -> memref<34816x1024xf32, #tpu.memory_space<hbm>>
    tpu.wait_indirect_dma semaphore(%arg7 : memref<!tpu.dma_semaphore, #tpu.memory_space<semaphore_mem>>) src(%dma_wait3A_695 : memref<34816x1024xf32, #tpu.memory_space<hbm>>) dst(%dma_wait3A_690 : memref<16x1024xf32, #tpu.memory_space<vmem>>)
    %add3A_696 = arith.constant 240 : i32
    %add3A_697 = arith.addi %mul3A_2, %add3A_696 : i32
    %dma_start3A_698 = arith.constant 3 : i32
    %dma_start3A_699 = arith.constant 0 : i32
    %dma_start3A_700 = arith.constant 0 : i32
    %dma_start3A_701 = tpu.memref_slice %arg6[%dma_start3A_698, %dma_start3A_699, %dma_start3A_700] : memref<6x16x1024xf32, #tpu.memory_space<vmem>> -> memref<1x16x1024xf32, #tpu.memory_space<vmem>>
    %dma_start3A_702 = tpu.memref_squeeze %dma_start3A_701 : memref<1x16x1024xf32, #tpu.memory_space<vmem>> -> memref<16x1024xf32, #tpu.memory_space<vmem>>
    %dma_start3A_703 = arith.constant 0 : i32
    %dma_start3A_704 = tpu.memref_slice %arg4[%add3A_697, %dma_start3A_703] : memref<8192x1024xf32, #tpu.memory_space<hbm>> -> memref<16x1024xf32, #tpu.memory_space<hbm>>
    %dma_start3A_705 = arith.constant 0 : i32
    %dma_start3A_706 = tpu.memref_slice %arg4[%add3A_697, %dma_start3A_705] : memref<8192x1024xf32, #tpu.memory_space<hbm>> -> memref<16x1024xf32, #tpu.memory_space<hbm>>
    %dma_start3A_707 = arith.constant 0 : i32
    %dma_start3A_708 = arith.constant 0 : i32
    %dma_start3A_709 = tpu.memref_slice %arg6[%dma_start3A_698, %dma_start3A_707, %dma_start3A_708] : memref<6x16x1024xf32, #tpu.memory_space<vmem>> -> memref<1x16x1024xf32, #tpu.memory_space<vmem>>
    %dma_start3A_710 = tpu.memref_squeeze %dma_start3A_709 : memref<1x16x1024xf32, #tpu.memory_space<vmem>> -> memref<16x1024xf32, #tpu.memory_space<vmem>>
    tpu.enqueue_dma source(%dma_start3A_710 : memref<16x1024xf32, #tpu.memory_space<vmem>>) target(%dma_start3A_706 : memref<16x1024xf32, #tpu.memory_space<hbm>>) target_semaphore(%arg8 : memref<!tpu.dma_semaphore, #tpu.memory_space<semaphore_mem>>)
    %add3A_711 = arith.constant 160 : i32
    %add3A_712 = arith.addi %mul3A_2, %add3A_711 : i32
    %dma_wait3A_713 = arith.constant 4 : i32
    %dma_wait3A_714 = arith.constant 0 : i32
    %dma_wait3A_715 = arith.constant 0 : i32
    %dma_wait3A_716 = tpu.memref_slice %arg6[%dma_wait3A_713, %dma_wait3A_714, %dma_wait3A_715] : memref<6x16x1024xf32, #tpu.memory_space<vmem>> -> memref<1x16x1024xf32, #tpu.memory_space<vmem>>
    %dma_wait3A_717 = tpu.memref_squeeze %dma_wait3A_716 : memref<1x16x1024xf32, #tpu.memory_space<vmem>> -> memref<16x1024xf32, #tpu.memory_space<vmem>>
    %dma_wait3A_718 = arith.constant 0 : i32
    %dma_wait3A_719 = tpu.memref_slice %arg4[%add3A_712, %dma_wait3A_718] : memref<8192x1024xf32, #tpu.memory_space<hbm>> -> memref<16x1024xf32, #tpu.memory_space<hbm>>
    %dma_wait3A_720 = arith.constant 0 : i32
    %dma_wait3A_721 = tpu.memref_slice %arg4[%add3A_712, %dma_wait3A_720] : memref<8192x1024xf32, #tpu.memory_space<hbm>> -> memref<16x1024xf32, #tpu.memory_space<hbm>>
    %dma_wait3A_722 = arith.constant 0 : i32
    %dma_wait3A_723 = arith.constant 0 : i32
    %dma_wait3A_724 = tpu.memref_slice %arg6[%dma_wait3A_713, %dma_wait3A_722, %dma_wait3A_723] : memref<6x16x1024xf32, #tpu.memory_space<vmem>> -> memref<1x16x1024xf32, #tpu.memory_space<vmem>>
    %dma_wait3A_725 = tpu.memref_squeeze %dma_wait3A_724 : memref<1x16x1024xf32, #tpu.memory_space<vmem>> -> memref<16x1024xf32, #tpu.memory_space<vmem>>
    tpu.wait_dma2 semaphore(%arg8 : memref<!tpu.dma_semaphore, #tpu.memory_space<semaphore_mem>>) src(%dma_wait3A_725 : memref<16x1024xf32, #tpu.memory_space<vmem>>) dst(%dma_wait3A_721 : memref<16x1024xf32, #tpu.memory_space<hbm>>)
    %add3A_726 = arith.constant 176 : i32
    %add3A_727 = arith.addi %mul3A_2, %add3A_726 : i32
    %dma_wait3A_728 = arith.constant 5 : i32
    %dma_wait3A_729 = arith.constant 0 : i32
    %dma_wait3A_730 = arith.constant 0 : i32
    %dma_wait3A_731 = tpu.memref_slice %arg6[%dma_wait3A_728, %dma_wait3A_729, %dma_wait3A_730] : memref<6x16x1024xf32, #tpu.memory_space<vmem>> -> memref<1x16x1024xf32, #tpu.memory_space<vmem>>
    %dma_wait3A_732 = tpu.memref_squeeze %dma_wait3A_731 : memref<1x16x1024xf32, #tpu.memory_space<vmem>> -> memref<16x1024xf32, #tpu.memory_space<vmem>>
    %dma_wait3A_733 = arith.constant 0 : i32
    %dma_wait3A_734 = tpu.memref_slice %arg4[%add3A_727, %dma_wait3A_733] : memref<8192x1024xf32, #tpu.memory_space<hbm>> -> memref<16x1024xf32, #tpu.memory_space<hbm>>
    %dma_wait3A_735 = arith.constant 0 : i32
    %dma_wait3A_736 = tpu.memref_slice %arg4[%add3A_727, %dma_wait3A_735] : memref<8192x1024xf32, #tpu.memory_space<hbm>> -> memref<16x1024xf32, #tpu.memory_space<hbm>>
    %dma_wait3A_737 = arith.constant 0 : i32
    %dma_wait3A_738 = arith.constant 0 : i32
    %dma_wait3A_739 = tpu.memref_slice %arg6[%dma_wait3A_728, %dma_wait3A_737, %dma_wait3A_738] : memref<6x16x1024xf32, #tpu.memory_space<vmem>> -> memref<1x16x1024xf32, #tpu.memory_space<vmem>>
    %dma_wait3A_740 = tpu.memref_squeeze %dma_wait3A_739 : memref<1x16x1024xf32, #tpu.memory_space<vmem>> -> memref<16x1024xf32, #tpu.memory_space<vmem>>
    tpu.wait_dma2 semaphore(%arg8 : memref<!tpu.dma_semaphore, #tpu.memory_space<semaphore_mem>>) src(%dma_wait3A_740 : memref<16x1024xf32, #tpu.memory_space<vmem>>) dst(%dma_wait3A_736 : memref<16x1024xf32, #tpu.memory_space<hbm>>)
    %add3A_741 = arith.constant 192 : i32
    %add3A_742 = arith.addi %mul3A_2, %add3A_741 : i32
    %dma_wait3A_743 = arith.constant 0 : i32
    %dma_wait3A_744 = arith.constant 0 : i32
    %dma_wait3A_745 = arith.constant 0 : i32
    %dma_wait3A_746 = tpu.memref_slice %arg6[%dma_wait3A_743, %dma_wait3A_744, %dma_wait3A_745] : memref<6x16x1024xf32, #tpu.memory_space<vmem>> -> memref<1x16x1024xf32, #tpu.memory_space<vmem>>
    %dma_wait3A_747 = tpu.memref_squeeze %dma_wait3A_746 : memref<1x16x1024xf32, #tpu.memory_space<vmem>> -> memref<16x1024xf32, #tpu.memory_space<vmem>>
    %dma_wait3A_748 = arith.constant 0 : i32
    %dma_wait3A_749 = tpu.memref_slice %arg4[%add3A_742, %dma_wait3A_748] : memref<8192x1024xf32, #tpu.memory_space<hbm>> -> memref<16x1024xf32, #tpu.memory_space<hbm>>
    %dma_wait3A_750 = arith.constant 0 : i32
    %dma_wait3A_751 = tpu.memref_slice %arg4[%add3A_742, %dma_wait3A_750] : memref<8192x1024xf32, #tpu.memory_space<hbm>> -> memref<16x1024xf32, #tpu.memory_space<hbm>>
    %dma_wait3A_752 = arith.constant 0 : i32
    %dma_wait3A_753 = arith.constant 0 : i32
    %dma_wait3A_754 = tpu.memref_slice %arg6[%dma_wait3A_743, %dma_wait3A_752, %dma_wait3A_753] : memref<6x16x1024xf32, #tpu.memory_space<vmem>> -> memref<1x16x1024xf32, #tpu.memory_space<vmem>>
    %dma_wait3A_755 = tpu.memref_squeeze %dma_wait3A_754 : memref<1x16x1024xf32, #tpu.memory_space<vmem>> -> memref<16x1024xf32, #tpu.memory_space<vmem>>
    tpu.wait_dma2 semaphore(%arg8 : memref<!tpu.dma_semaphore, #tpu.memory_space<semaphore_mem>>) src(%dma_wait3A_755 : memref<16x1024xf32, #tpu.memory_space<vmem>>) dst(%dma_wait3A_751 : memref<16x1024xf32, #tpu.memory_space<hbm>>)
    %add3A_756 = arith.constant 208 : i32
    %add3A_757 = arith.addi %mul3A_2, %add3A_756 : i32
    %dma_wait3A_758 = arith.constant 1 : i32
    %dma_wait3A_759 = arith.constant 0 : i32
    %dma_wait3A_760 = arith.constant 0 : i32
    %dma_wait3A_761 = tpu.memref_slice %arg6[%dma_wait3A_758, %dma_wait3A_759, %dma_wait3A_760] : memref<6x16x1024xf32, #tpu.memory_space<vmem>> -> memref<1x16x1024xf32, #tpu.memory_space<vmem>>
    %dma_wait3A_762 = tpu.memref_squeeze %dma_wait3A_761 : memref<1x16x1024xf32, #tpu.memory_space<vmem>> -> memref<16x1024xf32, #tpu.memory_space<vmem>>
    %dma_wait3A_763 = arith.constant 0 : i32
    %dma_wait3A_764 = tpu.memref_slice %arg4[%add3A_757, %dma_wait3A_763] : memref<8192x1024xf32, #tpu.memory_space<hbm>> -> memref<16x1024xf32, #tpu.memory_space<hbm>>
    %dma_wait3A_765 = arith.constant 0 : i32
    %dma_wait3A_766 = tpu.memref_slice %arg4[%add3A_757, %dma_wait3A_765] : memref<8192x1024xf32, #tpu.memory_space<hbm>> -> memref<16x1024xf32, #tpu.memory_space<hbm>>
    %dma_wait3A_767 = arith.constant 0 : i32
    %dma_wait3A_768 = arith.constant 0 : i32
    %dma_wait3A_769 = tpu.memref_slice %arg6[%dma_wait3A_758, %dma_wait3A_767, %dma_wait3A_768] : memref<6x16x1024xf32, #tpu.memory_space<vmem>> -> memref<1x16x1024xf32, #tpu.memory_space<vmem>>
    %dma_wait3A_770 = tpu.memref_squeeze %dma_wait3A_769 : memref<1x16x1024xf32, #tpu.memory_space<vmem>> -> memref<16x1024xf32, #tpu.memory_space<vmem>>
    tpu.wait_dma2 semaphore(%arg8 : memref<!tpu.dma_semaphore, #tpu.memory_space<semaphore_mem>>) src(%dma_wait3A_770 : memref<16x1024xf32, #tpu.memory_space<vmem>>) dst(%dma_wait3A_766 : memref<16x1024xf32, #tpu.memory_space<hbm>>)
    %add3A_771 = arith.constant 224 : i32
    %add3A_772 = arith.addi %mul3A_2, %add3A_771 : i32
    %dma_wait3A_773 = arith.constant 2 : i32
    %dma_wait3A_774 = arith.constant 0 : i32
    %dma_wait3A_775 = arith.constant 0 : i32
    %dma_wait3A_776 = tpu.memref_slice %arg6[%dma_wait3A_773, %dma_wait3A_774, %dma_wait3A_775] : memref<6x16x1024xf32, #tpu.memory_space<vmem>> -> memref<1x16x1024xf32, #tpu.memory_space<vmem>>
    %dma_wait3A_777 = tpu.memref_squeeze %dma_wait3A_776 : memref<1x16x1024xf32, #tpu.memory_space<vmem>> -> memref<16x1024xf32, #tpu.memory_space<vmem>>
    %dma_wait3A_778 = arith.constant 0 : i32
    %dma_wait3A_779 = tpu.memref_slice %arg4[%add3A_772, %dma_wait3A_778] : memref<8192x1024xf32, #tpu.memory_space<hbm>> -> memref<16x1024xf32, #tpu.memory_space<hbm>>
    %dma_wait3A_780 = arith.constant 0 : i32
    %dma_wait3A_781 = tpu.memref_slice %arg4[%add3A_772, %dma_wait3A_780] : memref<8192x1024xf32, #tpu.memory_space<hbm>> -> memref<16x1024xf32, #tpu.memory_space<hbm>>
    %dma_wait3A_782 = arith.constant 0 : i32
    %dma_wait3A_783 = arith.constant 0 : i32
    %dma_wait3A_784 = tpu.memref_slice %arg6[%dma_wait3A_773, %dma_wait3A_782, %dma_wait3A_783] : memref<6x16x1024xf32, #tpu.memory_space<vmem>> -> memref<1x16x1024xf32, #tpu.memory_space<vmem>>
    %dma_wait3A_785 = tpu.memref_squeeze %dma_wait3A_784 : memref<1x16x1024xf32, #tpu.memory_space<vmem>> -> memref<16x1024xf32, #tpu.memory_space<vmem>>
    tpu.wait_dma2 semaphore(%arg8 : memref<!tpu.dma_semaphore, #tpu.memory_space<semaphore_mem>>) src(%dma_wait3A_785 : memref<16x1024xf32, #tpu.memory_space<vmem>>) dst(%dma_wait3A_781 : memref<16x1024xf32, #tpu.memory_space<hbm>>)
    %add3A_786 = arith.constant 240 : i32
    %add3A_787 = arith.addi %mul3A_2, %add3A_786 : i32
    %dma_wait3A_788 = arith.constant 3 : i32
    %dma_wait3A_789 = arith.constant 0 : i32
    %dma_wait3A_790 = arith.constant 0 : i32
    %dma_wait3A_791 = tpu.memref_slice %arg6[%dma_wait3A_788, %dma_wait3A_789, %dma_wait3A_790] : memref<6x16x1024xf32, #tpu.memory_space<vmem>> -> memref<1x16x1024xf32, #tpu.memory_space<vmem>>
    %dma_wait3A_792 = tpu.memref_squeeze %dma_wait3A_791 : memref<1x16x1024xf32, #tpu.memory_space<vmem>> -> memref<16x1024xf32, #tpu.memory_space<vmem>>
    %dma_wait3A_793 = arith.constant 0 : i32
    %dma_wait3A_794 = tpu.memref_slice %arg4[%add3A_787, %dma_wait3A_793] : memref<8192x1024xf32, #tpu.memory_space<hbm>> -> memref<16x1024xf32, #tpu.memory_space<hbm>>
    %dma_wait3A_795 = arith.constant 0 : i32
    %dma_wait3A_796 = tpu.memref_slice %arg4[%add3A_787, %dma_wait3A_795] : memref<8192x1024xf32, #tpu.memory_space<hbm>> -> memref<16x1024xf32, #tpu.memory_space<hbm>>
    %dma_wait3A_797 = arith.constant 0 : i32
    %dma_wait3A_798 = arith.constant 0 : i32
    %dma_wait3A_799 = tpu.memref_slice %arg6[%dma_wait3A_788, %dma_wait3A_797, %dma_wait3A_798] : memref<6x16x1024xf32, #tpu.memory_space<vmem>> -> memref<1x16x1024xf32, #tpu.memory_space<vmem>>
    %dma_wait3A_800 = tpu.memref_squeeze %dma_wait3A_799 : memref<1x16x1024xf32, #tpu.memory_space<vmem>> -> memref<16x1024xf32, #tpu.memory_space<vmem>>
    tpu.wait_dma2 semaphore(%arg8 : memref<!tpu.dma_semaphore, #tpu.memory_space<semaphore_mem>>) src(%dma_wait3A_800 : memref<16x1024xf32, #tpu.memory_space<vmem>>) dst(%dma_wait3A_796 : memref<16x1024xf32, #tpu.memory_space<hbm>>)
    return
  }
}

module attributes {stable_mosaic.version = 14 : i64} {
  func.func @_mm_body(%arg0: i32, %arg1: memref<1x512xi32, #tpu.memory_space<vmem>>, %arg2: memref<2048x1024xf32, #tpu.memory_space<vmem>>, %arg3: memref<1x1024x1024xf32, #tpu.memory_space<vmem>>, %arg4: memref<2048x1024xf32, #tpu.memory_space<vmem>>, %arg5: memref<4x2048xi32, #tpu.memory_space<vmem>>) attributes {dimension_semantics = [#tpu.dimension_semantics<arbitrary>], iteration_bounds = array<i64: 17>, scalar_prefetch = 0 : i64, scratch_operands = 0 : i64, tpu.core_type = #tpu.core_type<tc>, window_params = [{pipeline_mode = #tpu.pipeline_mode<synchronous>, transform_indices = @transform_0, window_bounds = array<i64: 1, 512>}, {pipeline_mode = #tpu.pipeline_mode<synchronous>, transform_indices = @transform_1, window_bounds = array<i64: 2048, 1024>}, {transform_indices = @transform_2, window_bounds = array<i64: 1, 1024, 1024>}, {transform_indices = @transform_3, window_bounds = array<i64: 2048, 1024>}, {pipeline_mode = #tpu.pipeline_mode<synchronous>, transform_indices = @transform_4, window_bounds = array<i64: 4, 2048>}]} {
    %gt3A = arith.constant 0 : i32
    %gt3A_0 = arith.cmpi sgt, %arg0, %gt3A : i32
    %convert_element_type3A = arith.extui %gt3A_0 : i1 to i32
    %cond3A = arith.constant 0 : i32
    %cond3A_1 = arith.cmpi ne, %convert_element_type3A, %cond3A : i32
    scf.if %cond3A_1 {
      %get3A = arith.constant 0 : index
      %get3A_6 = arith.constant 0 : index
      %get3A_7 = vector.load %arg2[%get3A, %get3A_6] : memref<2048x1024xf32, #tpu.memory_space<vmem>>, vector<2048x1024xf32>
      %get3A_8 = arith.constant 0 : index
      %get3A_9 = arith.constant 0 : index
      %get3A_10 = arith.constant 0 : index
      %get3A_11 = vector.load %arg3[%get3A_8, %get3A_9, %get3A_10] : memref<1x1024x1024xf32, #tpu.memory_space<vmem>>, vector<1x1024x1024xf32>
      %get3A_12 = vector.shape_cast %get3A_11 : vector<1x1024x1024xf32> to vector<1024x1024xf32>
      %dot_general3A = arith.constant dense<0.000000e+00> : vector<2048x1024xf32>
      %dot_general3A_13 = tpu.matmul %get3A_7, %get3A_12, %dot_general3A {dimension_numbers = #tpu.dot_dimension_numbers<[1], [1], [0], [0], [0, 0, 1, 0], [], []>, transpose_lhs_hint = false} : vector<2048x1024xf32>, vector<1024x1024xf32>, vector<2048x1024xf32> -> vector<2048x1024xf32>
      %swap3A = arith.constant 0 : index
      %swap3A_14 = arith.constant 0 : index
      %swap3A_15 = vector.load %arg4[%swap3A, %swap3A_14] : memref<2048x1024xf32, #tpu.memory_space<vmem>>, vector<2048x1024xf32>
      tpu.vector_store %arg4[%swap3A, %swap3A_14], %dot_general3A_13 {strides = array<i32>} : memref<2048x1024xf32, #tpu.memory_space<vmem>>, vector<2048x1024xf32>,
    } else {
    }
    %eq3A = arith.constant 0 : i32
    %eq3A_2 = arith.cmpi eq, %arg0, %eq3A : i32
    %convert_element_type3A_3 = arith.extui %eq3A_2 : i1 to i32
    %cond3A_4 = arith.constant 0 : i32
    %cond3A_5 = arith.cmpi ne, %convert_element_type3A_3, %cond3A_4 : i32
    scf.if %cond3A_5 {
      %broadcast_in_dim3A = arith.constant 0.000000e+00 : f32
      %broadcast_in_dim3A_6 = vector.broadcast %broadcast_in_dim3A : f32 to vector<2048x1024xf32>
      %swap3A = arith.constant 0 : index
      %swap3A_7 = arith.constant 0 : index
      %swap3A_8 = vector.load %arg4[%swap3A, %swap3A_7] : memref<2048x1024xf32, #tpu.memory_space<vmem>>, vector<2048x1024xf32>
      tpu.vector_store %arg4[%swap3A, %swap3A_7], %broadcast_in_dim3A_6 {strides = array<i32>} : memref<2048x1024xf32, #tpu.memory_space<vmem>>, vector<2048x1024xf32>,
      %get3A = arith.constant 0 : index
      %get3A_9 = arith.constant 0 : index
      %get3A_10 = vector.load %arg1[%get3A, %get3A_9] : memref<1x512xi32, #tpu.memory_space<vmem>>, vector<1x512xi32>
      %get3A_11 = vector.shape_cast %get3A_10 : vector<1x512xi32> to vector<512xi32>
      %broadcast_in_dim3A_12 = vector.shape_cast %get3A_11 : vector<512xi32> to vector<1x512xi32>
      %broadcast_in_dim3A_13 = vector.shape_cast %broadcast_in_dim3A_12 : vector<1x512xi32> to vector<1x512xi32>
      %broadcast_in_dim3A_14 = vector.broadcast %broadcast_in_dim3A_13 : vector<1x512xi32> to vector<2048x512xi32>
      %iota3A = tpu.iota {dimensions = array<i32: 0>} : vector<2048x512xi32>
      %lt3A = arith.cmpi slt, %broadcast_in_dim3A_14, %iota3A : vector<2048x512xi32>
      %convert_element_type3A_15 = arith.extui %lt3A : vector<2048x512xi1> to vector<2048x512xi32>
      %reduce_sum3A = arith.constant dense<0> : vector<2048xi32>
      %reduce_sum3A_16 = vector.multi_reduction <add>, %convert_element_type3A_15, %reduce_sum3A [1] : vector<2048x512xi32> to vector<2048xi32>
      %jit3A = arith.constant -1 : i32
      %broadcast_in_dim3A_17 = vector.broadcast %jit3A : i32 to vector<2048x512xi32>
      %select_n3A = arith.select %lt3A, %broadcast_in_dim3A_14, %broadcast_in_dim3A_17 : vector<2048x512xi1>, vector<2048x512xi32>
      %reduce_max3A = arith.constant dense<-2147483648> : vector<2048xi32>
      %reduce_max3A_18 = vector.multi_reduction <maxsi>, %select_n3A, %reduce_max3A [1] : vector<2048x512xi32> to vector<2048xi32>
      %iota3A_19 = tpu.iota {dimensions = array<i32: 1>} : vector<1x2048xi32>
      %iota3A_20 = vector.shape_cast %iota3A_19 : vector<1x2048xi32> to vector<2048xi32>
      %sub3A = arith.constant 1 : i32
      %sub3A_21 = vector.broadcast %sub3A : i32 to vector<2048xi32>
      %sub3A_22 = arith.subi %iota3A_20, %sub3A_21 : vector<2048xi32>
      %sub3A_23 = arith.subi %sub3A_22, %reduce_max3A_18 : vector<2048xi32>
      %min3A = arith.constant 15 : i32
      %min3A_24 = vector.broadcast %min3A : i32 to vector<2048xi32>
      %min3A_25 = arith.minsi %sub3A_23, %min3A_24 : vector<2048xi32>
      %lt3A_26 = arith.constant 512 : i32
      %lt3A_27 = vector.broadcast %lt3A_26 : i32 to vector<2048xi32>
      %lt3A_28 = arith.cmpi slt, %reduce_sum3A_16, %lt3A_27 : vector<2048xi32>
      %jit3A_29 = arith.constant 16 : i32
      %broadcast_in_dim3A_30 = vector.broadcast %jit3A_29 : i32 to vector<2048xi32>
      %select_n3A_31 = arith.select %lt3A_28, %min3A_25, %broadcast_in_dim3A_30 : vector<2048xi1>, vector<2048xi32>
      %jit3A_32 = arith.constant 0 : i32
      %broadcast_in_dim3A_33 = vector.broadcast %jit3A_32 : i32 to vector<2048xi32>
      %select_n3A_34 = arith.select %lt3A_28, %reduce_sum3A_16, %broadcast_in_dim3A_33 : vector<2048xi1>, vector<2048xi32>
      %mul3A = arith.constant 2048 : i32
      %mul3A_35 = vector.broadcast %mul3A : i32 to vector<2048xi32>
      %mul3A_36 = arith.muli %select_n3A_31, %mul3A_35 : vector<2048xi32>
      %add3A = arith.addi %mul3A_36, %select_n3A_34 : vector<2048xi32>
      %iota3A_37 = tpu.iota {dimensions = array<i32: 0>} : vector<4x2048xi32>
      %mul3A_38 = arith.constant 512 : i32
      %mul3A_39 = vector.broadcast %mul3A_38 : i32 to vector<4x2048xi32>
      %mul3A_40 = arith.muli %iota3A_37, %mul3A_39 : vector<4x2048xi32>
      %broadcast_in_dim3A_41 = vector.shape_cast %add3A : vector<2048xi32> to vector<1x2048xi32>
      %add3A_42 = vector.broadcast %broadcast_in_dim3A_41 : vector<1x2048xi32> to vector<4x2048xi32>
      %add3A_43 = arith.addi %add3A_42, %mul3A_40 : vector<4x2048xi32>
      %swap3A_44 = arith.constant 0 : index
      %swap3A_45 = arith.constant 0 : index
      %swap3A_46 = vector.load %arg5[%swap3A_44, %swap3A_45] : memref<4x2048xi32, #tpu.memory_space<vmem>>, vector<4x2048xi32>
      tpu.vector_store %arg5[%swap3A_44, %swap3A_45], %add3A_43 {strides = array<i32>} : memref<4x2048xi32, #tpu.memory_space<vmem>>, vector<4x2048xi32>,
    } else {
    }
    return
  }
  func.func @transform_0(%arg0: i32) -> (i32, i32) {
    %c0_i32 = arith.constant 0 : i32
    %c0_i32_0 = arith.constant 0 : i32
    %c0_i32_1 = arith.constant 0 : i32
    return %c0_i32, %c0_i32_0 : i32, i32
  }
  func.func @transform_1(%arg0: i32) -> (i32, i32) {
    %c0_i32 = arith.constant 0 : i32
    %c0_i32_0 = arith.constant 0 : i32
    %c0_i32_1 = arith.constant 0 : i32
    return %c0_i32, %c0_i32_0 : i32, i32
  }
  func.func @transform_2(%arg0: i32) -> (i32, i32, i32) {
    %sub3A = arith.constant 1 : i32
    %sub3A_0 = arith.subi %arg0, %sub3A : i32
    %max3A = arith.constant 0 : i32
    %max3A_1 = arith.maxsi %sub3A_0, %max3A : i32
    %c0_i32 = arith.constant 0 : i32
    %c0_i32_2 = arith.constant 0 : i32
    %c0_i32_3 = arith.constant 0 : i32
    return %max3A_1, %c0_i32, %c0_i32_2 : i32, i32, i32
  }
  func.func @transform_3(%arg0: i32) -> (i32, i32) {
    %eq3A = arith.constant 0 : i32
    %eq3A_0 = arith.cmpi eq, %arg0, %eq3A : i32
    %sub3A = arith.constant 1 : i32
    %sub3A_1 = arith.subi %arg0, %sub3A : i32
    %jit3A = arith.constant 16 : i32
    %select_n3A = arith.select %eq3A_0, %jit3A, %sub3A_1 : i32
    %c0_i32 = arith.constant 0 : i32
    %c0_i32_2 = arith.constant 0 : i32
    return %select_n3A, %c0_i32 : i32, i32
  }
  func.func @transform_4(%arg0: i32) -> (i32, i32) {
    %c0_i32 = arith.constant 0 : i32
    %c0_i32_0 = arith.constant 0 : i32
    %c0_i32_1 = arith.constant 0 : i32
    return %c0_i32, %c0_i32_0 : i32, i32
  }
}

</mosaic_0001>

<sc_bundles>
// kernel: kernel.4.cloned.1.call-start
scs
__scs_entry_jumppad:
0x0: {  	(pc) =	sbr.rel $0x88, $3  }
0x1: {  	(tag) =	ssettag $0x0;
	lr =	simm.s32 $0x1  }
0x2: {  	[smem:$0x3F9E] =	sst lr;
	_ =	strace $0xD0000000  }
0x3: {  	_ = 	snop  }
0x4: {  	_ = 	snop  }
0x5: {  	_ = 	snop  }
0x6: {  	_ = 	snop  }
0x7: {  	_ = 	snop  }
__scs_overlays_trampoline_lowered:
0x8: {  	[smem:$0x3FAD] =	sst s0  }
0x9: {  	[smem:$0x3FAE] =	sst s1  }
0xa: {  	[smem:$0x3FAF] =	sst s2  }
0xb: {  	[smem:$0x3FB0] =	sst s3  }
0xc: {  	[smem:$0x3FB1] =	sst s4  }
0xd: {  	[smem:$0x3FB2] =	sst s5  }
0xe: {  	[smem:$0x3FB3] =	sst s6  }
0xf: {  	[smem:$0x3FB4] =	sst s7  }
0x10: {  	[smem:$0x3FB5] =	sst s8  }
0x11: {  	[smem:$0x3FB6] =	sst s9;
	s0 =	simm.s32 @!p0 $0x0  }
0x12: {  	s1 =	sld [smem:$0x3F9C];
	s0 =	simm.s32 @p0 $0x1  }
0x13: {  	[smem:$0x3FB7] =	sst s0;
	s0 =	simm.s32 @!p1 $0x0  }
0x14: {  	s2 =	sld [smem:$0x3F9B];
	s0 =	simm.s32 @p1 $0x1  }
0x15: {  	[smem:$0x3FB8] =	sst s0;
	s0 =	simm.s32 @!p2 $0x0  }
0x16: {  	s3 =	sld [smem:$0x3FDB];
	s0 =	simm.s32 @p2 $0x1  }
0x17: {  	s4 =	simm.s32 $0x1BF5;
	[smem:$0x3FBA] =	sst s0  }
0x18: {  	s0 =	sld [smem:$0x3F9D];
	_ =	swait.ge [sflag:s4], $0x0  }
0x19: {  	s7 =	sld [smem:$0x3F9E]  }
0x1a: {  	s8 =	sadd.s32 $0xFFFFE003, lr  }
0x1b: {  	s9 =	sadd.s32 $0xFFFFFEF7, lr;
	s5 =	simm.s32 $0xFFFFFFFF;
	p2 =	slt.u32 s8, $0xFFFFF086  }
0x1c: {  	p1 =	slt.u32 s9, $0xF7A;
	s5 =	simm.s32 @!p2 $0x0  }
0x1d: {  	s5 =	simm.s32 @p1 $0x1;
	p0 =	seq.s32 s7, s2  }
0x1e: {  	s7 =	smul.u32 @!p0 $0xF7A, s2;
	p2 =	seq.s32 @!p0 s5, $0x0  }
0x1f: {  	s9 =	smul.u32 $0xF7A, s1;
	s8 =	simm.s32 @!p0 $0x1BF5;
	p2 =	por !p2, p0  }
0x20: {  	[sflag:s8] =	ssyncset.s32 @!p0 $0xFFFFF086;
	s6 =	sadd.s32 @!p0 s3, s7;
	s7 =	simm.s32 @!p0 $0x108  }
0x21: {  	s3 =	sadd.s32 s3, s9;
	s6 =	sadd.s32 @!p0 $0x88, s6;
	s7 =	simm.s32 @p2 $0x1082  }
0x22: {  	[simem:s7], [sflag:s8] =	dma.local @!p0 [hbm:s6], $0xF7A  }
0x23: {  	s9 =	sor.u32 $0xD0000000, s2;
	s6 =	simm.s32 $0x108;
	_ =	swait.ge @!p0 [sflag:s8], $0x0  }
0x24: {  	s3 =	sadd.s32 $0x88, s3;
	s6 =	simm.s32 @!p1 $0x1082;
	[sflag:s4] =	ssyncset.s32 $0xFFFFF086  }
0x25: {  	[simem:s6], [sflag:s4] =	dma.local [hbm:s3], $0xF7A  }
0x26: {  	[smem:$0x3F9E] =	sst s1;
	(tag) =	ssettag s2;
	_ =	strace s9  }
0x27: {  	s1 =	sld [smem:$0x3FAE]  }
0x28: {  	s2 =	sld [smem:$0x3FAF]  }
0x29: {  	s4 =	sld [smem:$0x3FB1]  }
0x2a: {  	p0 =	seq.s32 s5, $0x0;
	s5 =	sld [smem:$0x3FB2]  }
0x2b: {  	s6 =	sld [smem:$0x3FB3]  }
0x2c: {  	s7 =	sld [smem:$0x3FB4]  }
0x2d: {  	s3 =	simm.s32 $0x108;
	s8 =	sld [smem:$0x3FB5]  }
0x2e: {  	s3 =	simm.s32 @!p0 $0x1082;
	s9 =	sld [smem:$0x3FB6]  }
0x2f: {  	lr =	sadd.s32 s0, s3;
	s0 =	sld [smem:$0x3FAD]  }
0x30: {  	s3 =	sld [smem:$0x3FB0]  }
0x31: {  	[smem:$0x3FB9] =	sst s10  }
0x32: {  	s10 =	sld [smem:$0x3FB7];
	_ =	sdelay $0x3  }
0x33: {  	p0 =	seq.s32 s10, $0x1;
	s10 =	sld [smem:$0x3FB9];
	_ =	sdelay $0x3  }
0x34: {  	[smem:$0x3FB9] =	sst s10  }
0x35: {  	s10 =	sld [smem:$0x3FB8];
	_ =	sdelay $0x3  }
0x36: {  	p1 =	seq.s32 s10, $0x1;
	s10 =	sld [smem:$0x3FB9];
	_ =	sdelay $0x3  }
0x37: {  	[smem:$0x3FB9] =	sst s10  }
0x38: {  	s10 =	sld [smem:$0x3FBA]  }
0x39: {  	_ = 	snop;
	(pc) =	sbr.ind lr, $3  }
0x3a: {  	_ = 	snop  }
0x3b: {  	_ = 	snop  }
0x3c: {  	p2 =	seq.s32 s10, $0x1;
	s10 =	sld [smem:$0x3FB9]  }
0x3d: {  	_ =	shalt  }
0x3e: {  	_ =	shalt  }
0x3f: {  	_ =	shalt  }
0x40: {  	_ =	shalt  }
0x41: {  	_ =	shalt  }
0x42: {  	_ =	shalt  }
0x43: {  	_ =	shalt  }
0x44: {  	_ =	shalt  }
0x45: {  	_ =	shalt  }
0x46: {  	_ =	shalt  }
0x47: {  	_ =	shalt  }
0x48: {  	_ =	shalt  }
0x49: {  	_ =	shalt  }
0x4a: {  	_ =	shalt  }
0x4b: {  	_ =	shalt  }
0x4c: {  	_ =	shalt  }
0x4d: {  	_ =	shalt  }
0x4e: {  	_ =	shalt  }
0x4f: {  	_ =	shalt  }
0x50: {  	_ =	shalt  }
0x51: {  	_ =	shalt  }
0x52: {  	_ =	shalt  }
0x53: {  	_ =	shalt  }
0x54: {  	_ =	shalt  }
0x55: {  	_ =	shalt  }
0x56: {  	_ =	shalt  }
0x57: {  	_ =	shalt  }
0x58: {  	_ =	shalt  }
0x59: {  	_ =	shalt  }
0x5a: {  	_ =	shalt  }
0x5b: {  	_ =	shalt  }
0x5c: {  	_ =	shalt  }
0x5d: {  	_ =	shalt  }
0x5e: {  	_ =	shalt  }
0x5f: {  	_ =	shalt  }
0x60: {  	_ =	shalt  }
0x61: {  	_ =	shalt  }
0x62: {  	_ =	shalt  }
0x63: {  	_ =	shalt  }
0x64: {  	_ =	shalt  }
0x65: {  	_ =	shalt  }
0x66: {  	_ =	shalt  }
0x67: {  	_ =	shalt  }
0x68: {  	_ =	shalt  }
0x69: {  	_ =	shalt  }
0x6a: {  	_ =	shalt  }
0x6b: {  	_ =	shalt  }
0x6c: {  	_ =	shalt  }
0x6d: {  	_ =	shalt  }
0x6e: {  	_ =	shalt  }
0x6f: {  	_ =	shalt  }
0x70: {  	_ =	shalt  }
0x71: {  	_ =	shalt  }
0x72: {  	_ =	shalt  }
0x73: {  	_ =	shalt  }
0x74: {  	_ =	shalt  }
0x75: {  	_ =	shalt  }
0x76: {  	_ =	shalt  }
0x77: {  	_ =	shalt  }
0x78: {  	_ =	shalt  }
0x79: {  	_ =	shalt  }
0x7a: {  	_ =	shalt  }
0x7b: {  	_ =	shalt  }
0x7c: {  	_ =	shalt  }
0x7d: {  	_ =	shalt  }
0x7e: {  	_ =	shalt  }
0x7f: {  	_ =	shalt  }
0x80: {  	_ =	shalt  }
0x81: {  	_ =	shalt  }
0x82: {  	_ =	shalt  }
0x83: {  	_ =	shalt  }
0x84: {  	_ =	shalt  }
0x85: {  	_ =	shalt  }
0x86: {  	_ =	shalt  }
0x87: {  	_ =	shalt  }
.Lfunc_end0:
.L_simem_size_0:
called_computation_lowered:
.L_overlay_start_0:
0x88: {  	s2 =	sld [smem:$0x3FD9]  }
0x89: {  	s3 =	sld [smem:$0x3FFE];
	_ =	sdelay $0x1  }
0x8a: {  	s1 =	srdreg.scid  }
0x8b: {  	s0 =	sand.u32 $0x1, s1  }
0x8c: {  	s17 =	sshll.u32 s0, $0xA;
	s2 =	sadd.s32 s3, s2  }
0x8d: {  	s2 =	sadd.s32 s2, s17  }
0x8e: {  	[smem:$0x3FC5] =	sst s2  }
0x8f: {  	_ = 	snop  }
0x90: {  	s2 =	sld [smem:$0x3FD0];
	(tm) =	ssettm $0x1  }
0x91: {  	s18 =	sld [smem:$0x3FFB];
	_ =	sdelay $0x3  }
0x92: {  	_ =	strace s18  }
0x93: {  	s3 =	sld [smem:$0x3FFC];
	_ =	sdelay $0x3  }
0x94: {  	_ =	strace s3  }
0x95: {  	s3 =	sld [smem:$0x3FFD];
	_ =	sdelay $0x3  }
0x96: {  	_ =	strace s3  }
0x97: {  	_ =	strace $0x8FFFFFFF  }
0x98: {  	s19 =	sld [smem:$0x3FDB];
	_ =	sdelay $0x1  }
0x99: {  	s4 =	simm.s32 $_scs_section_size  }
0x9a: {  	s5 =	simm.s32 $_size__tile_overlayer_lowered;
	s6 =	simm.s32 $_tile_overlayer_lowered  }
0x9b: {  	s22 =	simm.s32 $0x1BFF;
	s21 =	sshll.u32 s6, $0x1;
	s3 =	sadd.s32 s4, s19  }
0x9c: {  	s7 =	simm.s32 $0x0;
	s20 =	sshll.u32 s5, $0x1;
	s5 =	sadd.s32 s21, s3  }
0x9d: {  	[timem:s7], [sflag:s22] =	dma.local [hbm:s5], s20  }
0x9e: {  	_ =	swait.ge [sflag:s22], s20  }
0x9f: {  	s4 =	ssub.s32 $0x0, s20;
	[sflag:s22] =	ssyncset.done $0x0  }
0xa0: {  	[sflag:s22] =	ssyncadd.s32 s4;
	_ =	sdelay $0x1  }
0xa1: {  	s23 =	simm.s32 $0x1B8B  }
0xa2: {  	_ =	swait.ge [sflag:s23], $0x1  }
0xa3: {  	[sflag:s23] =	ssyncset.done $0x0  }
0xa4: {  	s25 =	simm.s32 $0x1B8E;
	s24 =	sld [smem:$0x3FFE];
	[sflag:s23] =	ssyncadd.s32 $0xFFFFFFFF  }
0xa5: {  	s26 =	simm.s32 $execute0_lowered;
	[smem:$0x3FD2] =	sst s25  }
0xa6: {  	s5 =	sshll.u32 s26, $0x1;
	_ =	strace $0x80000046;
	[dreg:$0x1] =	wrdreg $0xFFFFFFFF  }
0xa7: {  	s28 =	simm.s32 $_size_execute0_lowered;
	s3 =	sadd.s32 s3, s5;
	[dreg:$0x0] =	wrdreg $0x0  }
0xa8: {  	s5 =	sshll.u32 s28, $0x1;
	[dreg:$0x2] =	wrdreg s3  }
0xa9: {  	[dreg:$0x3] =	wrdreg s5  }
0xaa: {  	[dreg:$0x4] =	wrdreg $0xC0  }
0xab: {  	_ =	task [dreg:s7], $0x5FFFF  }
0xac: {  	[dreg:$0x1] =	wrdreg $0xFFFFFFFF  }
0xad: {  	[dreg:$0x0] =	wrdreg $0x60  }
0xae: {  	[dreg:$0x2] =	wrdreg s24  }
0xaf: {  	[dreg:$0x3] =	wrdreg s2  }
0xb0: {  	[dreg:$0x4] =	wrdreg $0x9  }
0xb1: {  	_ =	task.clear_ibuf [dreg:s7], $0x5FFFF;
	_ =	strace $0x90000046  }
0xb2: {  	s29 =	simm.s32 $0x9;
	_ =	strace $0x80000048  }
0xb3: {  	_ =	swait.ge [sflag:s29], $0x1  }
0xb4: {  	[sflag:s29] =	ssyncadd.s32 $0xFFFFFFFF  }
0xb5: {  	_ =	strace $0x90000048  }
0xb6: {  	_ =	sfence  }
0xb7: {  	s30 =	sld [smem:$0x0];
	_ =	sdelay $0x2  }
0xb8: {  	s31 =	sshll.u32 s1, $0xD;
	s1 =	sshrl.u32 s1, $0x2  }
0xb9: {  	s3 =	sand.u32 $0x4000, s31;
	s1 =	sadd.s32 s1, s30  }
0xba: {  	s0 =	sor.u32 s3, s0;
	s1 =	sshll.u32 s1, $0x11  }
0xbb: {  	s0 =	sor.u32 s1, s0  }
0xbc: {  	s0 =	sadd.s32 $0x8F2B, s0  }
0xbd: {  	[sflag:s0] =	ssyncadd.remote.s32 $0x1  }
0xbe: {  	_ =	sfence.sel $0xFFFF  }
0xbf: {  	[dreg:$0x0] =	wrdreg $0xFFFFFFFF;
	(pc) =	sbr.abs _section_cstart, $3  }
0xc0: {  	[dreg:$0x1] =	wrdreg $0xFFFFFFFF  }
0xc1: {  	_ =	task.clear_ibuf [dreg:s7], $0x2FFFF;
	_ =	strace $0x9FFFFFFF  }
0xc2: {  	(tm) =	ssettm $0x7FFFFFFF  }
0xc3: {  	_ =	shalt  }
tec
execute0_lowered:
.L_overlay_start_1:
0x0: {  	(tag) =	ssettag $0x1  }
0x1: {  	s0 =	srdreg.scid  }
0x2: {  	s2 =	stileid.u32;
	s0 =	sand.u32 $0x1, s0  }
0x3: {  	s1 =	rddreg [dreg:$0x0];
	s2 =	sshll.u32 s2, $0x9;
	s3 =	sshll.u32 s0, $0x8  }
0x4: {  	s4 =	rddreg [dreg:$0x1];
	s3 =	sor.u32 s3, s2  }
0x5: {  	s2 =	simm.s32 $0x0;
	s5 =	sshrl.u32 s3, $0x3;
	s3 =	sshll.u32 s3, $0x7  }
0x6: {  	[smem:$0x7FF] =	sst s2;
	s5 =	sadd.s32 s5, s1;
	s7 =	sadd.s32 s4, s3  }
0x7: {  	_ =	strace $0x80000047;
	s5 =	sadd.s32 $0x440A00, s5;
	[dreg:$0x13] =	wrdreg s7  }
0x8: {  	s3 =	sadd.s32 $0x800, s7;
	[dreg:$0x3] =	wrdreg s5  }
0x9: {  	s9 =	simm.s32 $0x8100;
	s14 =	sadd.s32 $0x1000, s7;
	[dreg:$0x4] =	wrdreg s3  }
0xa: {  	s29 =	simm.s32 $0x10100;
	s15 =	sadd.s32 $0x1800, s7;
	[dreg:$0x5] =	wrdreg s14  }
0xb: {  	s10 =	simm.s32 $0x11900;
	s16 =	sadd.s32 $0x2000, s7;
	[dreg:$0x6] =	wrdreg s15  }
0xc: {  	s11 =	simm.s32 $0x12100;
	s17 =	sadd.s32 $0x2800, s7;
	[dreg:$0x7] =	wrdreg s16  }
0xd: {  	s12 =	simm.s32 $0x12900;
	s18 =	sadd.s32 $0x3000, s7;
	[dreg:$0x8] =	wrdreg s17  }
0xe: {  	s13 =	simm.s32 $0x13100;
	s19 =	sadd.s32 $0x3800, s7;
	[dreg:$0x9] =	wrdreg s18  }
0xf: {  	s28 =	simm.s32 $0x17900;
	s20 =	sadd.s32 $0x4000, s7;
	[dreg:$0xa] =	wrdreg s19  }
0x10: {  	s6 =	sadd.s32 $0xC00, s1;
	s21 =	sadd.s32 $0x4800, s7;
	[dreg:$0xb] =	wrdreg s20  }
0x11: {  	s0 =	ssub.s32 $0x2, s0;
	s22 =	sadd.s32 $0x5000, s7;
	[dreg:$0xc] =	wrdreg s21  }
0x12: {  	s24 =	sshrl.u32 s0, $0x1;
	s23 =	sadd.s32 $0x5800, s7;
	[dreg:$0xd] =	wrdreg s22  }
0x13: {  	s0 =	ssub.s32 s0, s24;
	s25 =	sadd.s32 $0x6000, s7;
	[dreg:$0xe] =	wrdreg s23  }
0x14: {  	s24 =	simm.s32 $0x16900;
	s26 =	sadd.s32 $0x6800, s7;
	[dreg:$0xf] =	wrdreg s25  }
0x15: {  	s4 =	sadd.s32 $0xA00, s1;
	s30 =	sadd.s32 $0x7000, s7;
	[dreg:$0x10] =	wrdreg s26  }
0x16: {  	s8 =	smax.u32 s0, $0x1;
	s31 =	sadd.s32 $0x7800, s7;
	[dreg:$0x11] =	wrdreg s30  }
0x17: {  	s7 =	sadd.s32 $0xD00, s1;
	s5 =	sadd.s32 $0xB00, s1;
	[dreg:$0x12] =	wrdreg s31  }
0x18: {  	s20 =	simm.s32 $0x1;
	s22 =	simm.s32 $0x2;
	s18 =	simm.s32 $0x100  }
0x19: {  	v2 =	vlaneseq.u32;
	s26 =	simm.s32 $0x4100;
	s3 =	simm.s32 $0x11100;
	s14 =	simm.s32 $0x13900  }
0x1a: {  	vm0 =	vmmov $0xffff;
	v1 =	vshrl.u32 v2, $0x3;
	s15 =	simm.s32 $0x14100;
	s16 =	simm.s32 $0x14900;
	s17 =	simm.s32 $0x15100  }
0x1b: {  	v0 =	vand.u32 $0x7, v2;
	v2 =	vor.u32 $0x8, v2;
	v1 =	vmul.u32 $0x8, v1;
	s19 =	simm.s32 $0x15900;
	s21 =	simm.s32 $0x16100;
	s25 =	simm.s32 $0x17100  }
.LBB2_1:
0x1c: {  	s23 =	rddreg [dreg:$0x3];
	s30 =	simm.s32 $0x3  }
0x1d: {  	[tilespmem:s2], [sflag:$0x3] =	stream.linear.gather [hbm4b:s23+s2], $0x100, $0x38;
	[tilespmem:$0x18100] =	vst v63  }
0x1e: {  	_ =	swait.ge [sflag:s30], $0x100  }
0x1f: {  	[sflag:s30] =	ssyncset.done $0x0  }
0x20: {  	[sflag:s30] =	ssyncadd.s32 $0xFFFFFF00  }
0x21: {  	v3 =	vld [tilespmem:$0x0];
	_ =	sdelay $0x4  }
0x22: {  	v4 =	vshll.u32 v3, $0x3  }
0x23: {  	v3 =	vand.u32 $0x7, v3;
	v4 =	vand.u32 $0xFFFFFFC0, v4  }
0x24: {  	v3 =	vor.u32 v3, v4  }
0x25: {  	v4 =	vperm.xlane v3, v0;
	_ =	sdelay $0x1  }
0x26: {  	v4 =	vadd.s32 v1, v4;
	_ =	sdelay $0x4  }
0x27: {  	[tilespmem:s18], [sflag:$0x1] =	stream.indirect_vreg.gather [hbm4b:s4+s2], $0x80, v4, vm0, $0xb8;
	[tilespmem:$0x18100] =	vst v63  }
0x28: {  	s0 =	simm.s32 $0x900;
	v3 =	vperm.xlane v3, v2  }
0x29: {  	[tilespmem:s0], [sflag:$0x1] =	stream.indirect_vreg.gather [hbm4b:s5+s2], $0x80, v4, vm0, $0xb8;
	[tilespmem:$0x18100] =	vst v63  }
0x2a: {  	s31 =	simm.s32 $0x1100;
	v3 =	vadd.s32 v1, v3  }
0x2b: {  	[tilespmem:s31], [sflag:$0x1] =	stream.indirect_vreg.gather [hbm4b:s6+s2], $0x80, v4, vm0, $0xb8;
	[tilespmem:$0x18100] =	vst v63  }
0x2c: {  	s1 =	simm.s32 $0x1900  }
0x2d: {  	[tilespmem:s1], [sflag:$0x1] =	stream.indirect_vreg.gather [hbm4b:s7+s2], $0x80, v4, vm0, $0xb8;
	[tilespmem:$0x18100] =	vst v63  }
0x2e: {  	s23 =	simm.s32 $0x2100  }
0x2f: {  	[tilespmem:s23], [sflag:$0x1] =	stream.indirect_vreg.gather [hbm4b:s4+s2], $0x80, v3, vm0, $0xb8;
	[tilespmem:$0x18100] =	vst v63  }
0x30: {  	s1 =	simm.s32 $0x2900  }
0x31: {  	[tilespmem:s1], [sflag:$0x1] =	stream.indirect_vreg.gather [hbm4b:s5+s2], $0x80, v3, vm0, $0xb8;
	[tilespmem:$0x18100] =	vst v63  }
0x32: {  	s23 =	simm.s32 $0x3100  }
0x33: {  	[tilespmem:s23], [sflag:$0x1] =	stream.indirect_vreg.gather [hbm4b:s6+s2], $0x80, v3, vm0, $0xb8;
	[tilespmem:$0x18100] =	vst v63  }
0x34: {  	s1 =	simm.s32 $0x3900  }
0x35: {  	[tilespmem:s1], [sflag:$0x1] =	stream.indirect_vreg.gather [hbm4b:s7+s2], $0x80, v3, vm0, $0xb8;
	[tilespmem:$0x18100] =	vst v63  }
0x36: {  	v3 =	vld [tilespmem:$0x10];
	_ =	sdelay $0x4  }
0x37: {  	v49 =	vshll.u32 v3, $0x3  }
0x38: {  	v3 =	vand.u32 $0x7, v3;
	v4 =	vand.u32 $0xFFFFFFC0, v49  }
0x39: {  	v3 =	vor.u32 v3, v4  }
0x3a: {  	v4 =	vperm.xlane v3, v0;
	_ =	sdelay $0x1  }
0x3b: {  	v4 =	vadd.s32 v1, v4;
	_ =	sdelay $0x4  }
0x3c: {  	[tilespmem:s26], [sflag:$0x1] =	stream.indirect_vreg.gather [hbm4b:s4+s2], $0x80, v4, vm0, $0xb8;
	[tilespmem:$0x18100] =	vst v63  }
0x3d: {  	s23 =	simm.s32 $0x4900;
	v3 =	vperm.xlane v3, v2  }
0x3e: {  	[tilespmem:s23], [sflag:$0x1] =	stream.indirect_vreg.gather [hbm4b:s5+s2], $0x80, v4, vm0, $0xb8;
	[tilespmem:$0x18100] =	vst v63  }
0x3f: {  	s1 =	simm.s32 $0x5100;
	v3 =	vadd.s32 v1, v3  }
0x40: {  	[tilespmem:s1], [sflag:$0x1] =	stream.indirect_vreg.gather [hbm4b:s6+s2], $0x80, v4, vm0, $0xb8;
	[tilespmem:$0x18100] =	vst v63  }
0x41: {  	s23 =	simm.s32 $0x5900  }
0x42: {  	[tilespmem:s23], [sflag:$0x1] =	stream.indirect_vreg.gather [hbm4b:s7+s2], $0x80, v4, vm0, $0xb8;
	[tilespmem:$0x18100] =	vst v63  }
0x43: {  	s1 =	simm.s32 $0x6100  }
0x44: {  	[tilespmem:s1], [sflag:$0x1] =	stream.indirect_vreg.gather [hbm4b:s4+s2], $0x80, v3, vm0, $0xb8;
	[tilespmem:$0x18100] =	vst v63  }
0x45: {  	s23 =	simm.s32 $0x6900  }
0x46: {  	[tilespmem:s23], [sflag:$0x1] =	stream.indirect_vreg.gather [hbm4b:s5+s2], $0x80, v3, vm0, $0xb8;
	[tilespmem:$0x18100] =	vst v63  }
0x47: {  	s1 =	simm.s32 $0x7100  }
0x48: {  	[tilespmem:s1], [sflag:$0x1] =	stream.indirect_vreg.gather [hbm4b:s6+s2], $0x80, v3, vm0, $0xb8;
	[tilespmem:$0x18100] =	vst v63  }
0x49: {  	s23 =	simm.s32 $0x7900  }
0x4a: {  	[tilespmem:s23], [sflag:$0x1] =	stream.indirect_vreg.gather [hbm4b:s7+s2], $0x80, v3, vm0, $0xb8;
	[tilespmem:$0x18100] =	vst v63  }
0x4b: {  	v3 =	vld [tilespmem:$0x20];
	_ =	sdelay $0x4  }
0x4c: {  	v50 =	vshll.u32 v3, $0x3  }
0x4d: {  	v3 =	vand.u32 $0x7, v3;
	v4 =	vand.u32 $0xFFFFFFC0, v50  }
0x4e: {  	v3 =	vor.u32 v3, v4  }
0x4f: {  	v4 =	vperm.xlane v3, v0;
	_ =	sdelay $0x1  }
0x50: {  	v4 =	vadd.s32 v1, v4;
	_ =	sdelay $0x4  }
0x51: {  	[tilespmem:s9], [sflag:$0x1] =	stream.indirect_vreg.gather [hbm4b:s4+s2], $0x80, v4, vm0, $0xb8;
	[tilespmem:$0x18100] =	vst v63  }
0x52: {  	s1 =	simm.s32 $0x8900;
	v3 =	vperm.xlane v3, v2  }
0x53: {  	[tilespmem:s1], [sflag:$0x1] =	stream.indirect_vreg.gather [hbm4b:s5+s2], $0x80, v4, vm0, $0xb8;
	[tilespmem:$0x18100] =	vst v63  }
0x54: {  	s23 =	simm.s32 $0x9100;
	v3 =	vadd.s32 v1, v3  }
0x55: {  	[tilespmem:s23], [sflag:$0x1] =	stream.indirect_vreg.gather [hbm4b:s6+s2], $0x80, v4, vm0, $0xb8;
	[tilespmem:$0x18100] =	vst v63  }
0x56: {  	s1 =	simm.s32 $0x9900  }
0x57: {  	[tilespmem:s1], [sflag:$0x1] =	stream.indirect_vreg.gather [hbm4b:s7+s2], $0x80, v4, vm0, $0xb8;
	[tilespmem:$0x18100] =	vst v63  }
0x58: {  	s23 =	simm.s32 $0xA100  }
0x59: {  	[tilespmem:s23], [sflag:$0x1] =	stream.indirect_vreg.gather [hbm4b:s4+s2], $0x80, v3, vm0, $0xb8;
	[tilespmem:$0x18100] =	vst v63  }
0x5a: {  	s1 =	simm.s32 $0xA900  }
0x5b: {  	[tilespmem:s1], [sflag:$0x1] =	stream.indirect_vreg.gather [hbm4b:s5+s2], $0x80, v3, vm0, $0xb8;
	[tilespmem:$0x18100] =	vst v63  }
0x5c: {  	s23 =	simm.s32 $0xB100  }
0x5d: {  	[tilespmem:s23], [sflag:$0x1] =	stream.indirect_vreg.gather [hbm4b:s6+s2], $0x80, v3, vm0, $0xb8;
	[tilespmem:$0x18100] =	vst v63  }
0x5e: {  	s1 =	simm.s32 $0xB900  }
0x5f: {  	[tilespmem:s1], [sflag:$0x1] =	stream.indirect_vreg.gather [hbm4b:s7+s2], $0x80, v3, vm0, $0xb8;
	[tilespmem:$0x18100] =	vst v63  }
0x60: {  	v3 =	vld [tilespmem:$0x30];
	_ =	sdelay $0x4  }
0x61: {  	v51 =	vshll.u32 v3, $0x3  }
0x62: {  	v3 =	vand.u32 $0x7, v3;
	v4 =	vand.u32 $0xFFFFFFC0, v51  }
0x63: {  	v3 =	vor.u32 v3, v4  }
0x64: {  	v4 =	vperm.xlane v3, v0;
	_ =	sdelay $0x1  }
0x65: {  	v4 =	vadd.s32 v1, v4;
	_ =	sdelay $0x3  }
0x66: {  	s0 =	simm.s32 $0xC100  }
0x67: {  	[tilespmem:s0], [sflag:$0x1] =	stream.indirect_vreg.gather [hbm4b:s4+s2], $0x80, v4, vm0, $0xb8;
	[tilespmem:$0x18100] =	vst v63  }
0x68: {  	s1 =	simm.s32 $0xC900;
	v3 =	vperm.xlane v3, v2  }
0x69: {  	[tilespmem:s1], [sflag:$0x1] =	stream.indirect_vreg.gather [hbm4b:s5+s2], $0x80, v4, vm0, $0xb8;
	[tilespmem:$0x18100] =	vst v63  }
0x6a: {  	s23 =	simm.s32 $0xD100;
	v3 =	vadd.s32 v1, v3  }
0x6b: {  	[tilespmem:s23], [sflag:$0x1] =	stream.indirect_vreg.gather [hbm4b:s6+s2], $0x80, v4, vm0, $0xb8;
	[tilespmem:$0x18100] =	vst v63  }
0x6c: {  	s23 =	simm.s32 $0xD900  }
0x6d: {  	[tilespmem:s23], [sflag:$0x1] =	stream.indirect_vreg.gather [hbm4b:s7+s2], $0x80, v4, vm0, $0xb8;
	[tilespmem:$0x18100] =	vst v63  }
0x6e: {  	s23 =	simm.s32 $0xE100  }
0x6f: {  	[tilespmem:s23], [sflag:$0x1] =	stream.indirect_vreg.gather [hbm4b:s4+s2], $0x80, v3, vm0, $0xb8;
	[tilespmem:$0x18100] =	vst v63  }
0x70: {  	s23 =	simm.s32 $0xE900  }
0x71: {  	[tilespmem:s23], [sflag:$0x1] =	stream.indirect_vreg.gather [hbm4b:s5+s2], $0x80, v3, vm0, $0xb8;
	[tilespmem:$0x18100] =	vst v63  }
0x72: {  	s23 =	simm.s32 $0xF100  }
0x73: {  	[tilespmem:s23], [sflag:$0x1] =	stream.indirect_vreg.gather [hbm4b:s6+s2], $0x80, v3, vm0, $0xb8;
	[tilespmem:$0x18100] =	vst v63  }
0x74: {  	s23 =	simm.s32 $0xF900  }
0x75: {  	[tilespmem:s23], [sflag:$0x1] =	stream.indirect_vreg.gather [hbm4b:s7+s2], $0x80, v3, vm0, $0xb8;
	[tilespmem:$0x18100] =	vst v63  }
0x76: {  	v3 =	vld [tilespmem:$0x40];
	_ =	sdelay $0x4  }
0x77: {  	v52 =	vshll.u32 v3, $0x3  }
0x78: {  	v3 =	vand.u32 $0x7, v3;
	v4 =	vand.u32 $0xFFFFFFC0, v52  }
0x79: {  	v3 =	vor.u32 v3, v4  }
0x7a: {  	v4 =	vperm.xlane v3, v0;
	_ =	sdelay $0x1  }
0x7b: {  	v4 =	vadd.s32 v1, v4;
	_ =	sdelay $0x4  }
0x7c: {  	[tilespmem:s29], [sflag:$0x1] =	stream.indirect_vreg.gather [hbm4b:s4+s2], $0x80, v4, vm0, $0xb8;
	[tilespmem:$0x18100] =	vst v63  }
0x7d: {  	s1 =	simm.s32 $0x10900;
	v3 =	vperm.xlane v3, v2  }
0x7e: {  	[tilespmem:s1], [sflag:$0x1] =	stream.indirect_vreg.gather [hbm4b:s5+s2], $0x80, v4, vm0, $0xb8;
	[tilespmem:$0x18100] =	vst v63  }
0x7f: {  	v3 =	vadd.s32 v1, v3  }
0x80: {  	[tilespmem:s3], [sflag:$0x1] =	stream.indirect_vreg.gather [hbm4b:s6+s2], $0x80, v4, vm0, $0xb8;
	[tilespmem:$0x18100] =	vst v63  }
0x81: {  	_ = 	snop  }
0x82: {  	[tilespmem:s10], [sflag:$0x1] =	stream.indirect_vreg.gather [hbm4b:s7+s2], $0x80, v4, vm0, $0xb8;
	[tilespmem:$0x18100] =	vst v63  }
0x83: {  	_ = 	snop  }
0x84: {  	[tilespmem:s11], [sflag:$0x1] =	stream.indirect_vreg.gather [hbm4b:s4+s2], $0x80, v3, vm0, $0xb8;
	[tilespmem:$0x18100] =	vst v63  }
0x85: {  	_ = 	snop  }
0x86: {  	[tilespmem:s12], [sflag:$0x1] =	stream.indirect_vreg.gather [hbm4b:s5+s2], $0x80, v3, vm0, $0xb8;
	[tilespmem:$0x18100] =	vst v63  }
0x87: {  	_ = 	snop  }
0x88: {  	[tilespmem:s13], [sflag:$0x1] =	stream.indirect_vreg.gather [hbm4b:s6+s2], $0x80, v3, vm0, $0xb8;
	[tilespmem:$0x18100] =	vst v63  }
0x89: {  	_ = 	snop  }
0x8a: {  	[tilespmem:s14], [sflag:$0x1] =	stream.indirect_vreg.gather [hbm4b:s7+s2], $0x80, v3, vm0, $0xb8;
	[tilespmem:$0x18100] =	vst v63  }
0x8b: {  	_ =	swait.ge [sflag:s20], $0x4000  }
0x8c: {  	[sflag:s20] =	ssyncset.done $0x0  }
0x8d: {  	[sflag:s20] =	ssyncadd.s32 $0xFFFFC000  }
0x8e: {  	v3 =	vld [tilespmem:$0x50];
	_ =	sdelay $0x4  }
0x8f: {  	v53 =	vshll.u32 v3, $0x3  }
0x90: {  	v3 =	vand.u32 $0x7, v3;
	v4 =	vand.u32 $0xFFFFFFC0, v53  }
0x91: {  	v3 =	vor.u32 v3, v4  }
0x92: {  	v4 =	vperm.xlane v3, v0;
	_ =	sdelay $0x1  }
0x93: {  	v4 =	vadd.s32 v1, v4;
	_ =	sdelay $0x4  }
0x94: {  	[tilespmem:s15], [sflag:$0x1] =	stream.indirect_vreg.gather [hbm4b:s4+s2], $0x80, v4, vm0, $0xb8;
	[tilespmem:$0x18100] =	vst v63  }
0x95: {  	v3 =	vperm.xlane v3, v2  }
0x96: {  	[tilespmem:s16], [sflag:$0x1] =	stream.indirect_vreg.gather [hbm4b:s5+s2], $0x80, v4, vm0, $0xb8;
	[tilespmem:$0x18100] =	vst v63  }
0x97: {  	v3 =	vadd.s32 v1, v3  }
0x98: {  	[tilespmem:s17], [sflag:$0x1] =	stream.indirect_vreg.gather [hbm4b:s6+s2], $0x80, v4, vm0, $0xb8;
	[tilespmem:$0x18100] =	vst v63  }
0x99: {  	_ = 	snop  }
0x9a: {  	[tilespmem:s19], [sflag:$0x1] =	stream.indirect_vreg.gather [hbm4b:s7+s2], $0x80, v4, vm0, $0xb8;
	[tilespmem:$0x18100] =	vst v63  }
0x9b: {  	_ = 	snop  }
0x9c: {  	[tilespmem:s21], [sflag:$0x1] =	stream.indirect_vreg.gather [hbm4b:s4+s2], $0x80, v3, vm0, $0xb8;
	[tilespmem:$0x18100] =	vst v63  }
0x9d: {  	_ = 	snop  }
0x9e: {  	[tilespmem:s24], [sflag:$0x1] =	stream.indirect_vreg.gather [hbm4b:s5+s2], $0x80, v3, vm0, $0xb8;
	[tilespmem:$0x18100] =	vst v63  }
0x9f: {  	_ = 	snop  }
0xa0: {  	[tilespmem:s25], [sflag:$0x1] =	stream.indirect_vreg.gather [hbm4b:s6+s2], $0x80, v3, vm0, $0xb8;
	[tilespmem:$0x18100] =	vst v63  }
0xa1: {  	_ = 	snop  }
0xa2: {  	[tilespmem:s28], [sflag:$0x1] =	stream.indirect_vreg.gather [hbm4b:s7+s2], $0x80, v3, vm0, $0xb8;
	[tilespmem:$0x18100] =	vst v63  }
0xa3: {  	s23 =	rddreg [dreg:$0x13]  }
0xa4: {  	[hbm4b:s23+s2] =	stream.linear.scatter [tilespmem:s18], [sflag:$0x2], $0x4000, $0x38;
	[tilespmem:$0x18100] =	vst v63  }
0xa5: {  	_ =	swait.ge [sflag:s20], $0x4000  }
0xa6: {  	[sflag:s20] =	ssyncset.done $0x0  }
0xa7: {  	[sflag:s20] =	ssyncadd.s32 $0xFFFFC000  }
0xa8: {  	_ =	swait.ge [sflag:s22], $0x4000  }
0xa9: {  	[sflag:s22] =	ssyncset.done $0x0  }
0xaa: {  	[sflag:s22] =	ssyncadd.s32 $0xFFFFC000  }
0xab: {  	v3 =	vld [tilespmem:$0x60];
	_ =	sdelay $0x4  }
0xac: {  	v54 =	vshll.u32 v3, $0x3  }
0xad: {  	v3 =	vand.u32 $0x7, v3;
	v4 =	vand.u32 $0xFFFFFFC0, v54  }
0xae: {  	v3 =	vor.u32 v3, v4  }
0xaf: {  	v4 =	vperm.xlane v3, v0;
	_ =	sdelay $0x1  }
0xb0: {  	v4 =	vadd.s32 v1, v4;
	_ =	sdelay $0x4  }
0xb1: {  	[tilespmem:s18], [sflag:$0x1] =	stream.indirect_vreg.gather [hbm4b:s4+s2], $0x80, v4, vm0, $0xb8;
	[tilespmem:$0x18100] =	vst v63  }
0xb2: {  	s30 =	simm.s32 $0x900;
	v3 =	vperm.xlane v3, v2  }
0xb3: {  	[tilespmem:s30], [sflag:$0x1] =	stream.indirect_vreg.gather [hbm4b:s5+s2], $0x80, v4, vm0, $0xb8;
	[tilespmem:$0x18100] =	vst v63  }
0xb4: {  	v3 =	vadd.s32 v1, v3;
	s30 =	simm.s32 $0x1100  }
0xb5: {  	[tilespmem:s30], [sflag:$0x1] =	stream.indirect_vreg.gather [hbm4b:s6+s2], $0x80, v4, vm0, $0xb8;
	[tilespmem:$0x18100] =	vst v63  }
0xb6: {  	s31 =	simm.s32 $0x1900  }
0xb7: {  	[tilespmem:s31], [sflag:$0x1] =	stream.indirect_vreg.gather [hbm4b:s7+s2], $0x80, v4, vm0, $0xb8;
	[tilespmem:$0x18100] =	vst v63  }
0xb8: {  	s31 =	simm.s32 $0x2100  }
0xb9: {  	[tilespmem:s31], [sflag:$0x1] =	stream.indirect_vreg.gather [hbm4b:s4+s2], $0x80, v3, vm0, $0xb8;
	[tilespmem:$0x18100] =	vst v63  }
0xba: {  	s30 =	simm.s32 $0x2900  }
0xbb: {  	[tilespmem:s30], [sflag:$0x1] =	stream.indirect_vreg.gather [hbm4b:s5+s2], $0x80, v3, vm0, $0xb8;
	[tilespmem:$0x18100] =	vst v63  }
0xbc: {  	s30 =	simm.s32 $0x3100  }
0xbd: {  	[tilespmem:s30], [sflag:$0x1] =	stream.indirect_vreg.gather [hbm4b:s6+s2], $0x80, v3, vm0, $0xb8;
	[tilespmem:$0x18100] =	vst v63  }
0xbe: {  	s30 =	simm.s32 $0x3900  }
0xbf: {  	[tilespmem:s30], [sflag:$0x1] =	stream.indirect_vreg.gather [hbm4b:s7+s2], $0x80, v3, vm0, $0xb8;
	[tilespmem:$0x18100] =	vst v63  }
0xc0: {  	s23 =	rddreg [dreg:$0x4]  }
0xc1: {  	[hbm4b:s23+s2] =	stream.linear.scatter [tilespmem:s26], [sflag:$0x2], $0x4000, $0x38;
	[tilespmem:$0x18100] =	vst v63  }
0xc2: {  	_ =	swait.ge [sflag:s20], $0x4000  }
0xc3: {  	[sflag:s20] =	ssyncset.done $0x0  }
0xc4: {  	[sflag:s20] =	ssyncadd.s32 $0xFFFFC000  }
0xc5: {  	_ =	swait.ge [sflag:s22], $0x4000  }
0xc6: {  	[sflag:s22] =	ssyncset.done $0x0  }
0xc7: {  	[sflag:s22] =	ssyncadd.s32 $0xFFFFC000  }
0xc8: {  	v3 =	vld [tilespmem:$0x70];
	_ =	sdelay $0x4  }
0xc9: {  	v55 =	vshll.u32 v3, $0x3  }
0xca: {  	v3 =	vand.u32 $0x7, v3;
	v4 =	vand.u32 $0xFFFFFFC0, v55  }
0xcb: {  	v3 =	vor.u32 v3, v4  }
0xcc: {  	v4 =	vperm.xlane v3, v0;
	_ =	sdelay $0x1  }
0xcd: {  	v4 =	vadd.s32 v1, v4;
	_ =	sdelay $0x4  }
0xce: {  	[tilespmem:s26], [sflag:$0x1] =	stream.indirect_vreg.gather [hbm4b:s4+s2], $0x80, v4, vm0, $0xb8;
	[tilespmem:$0x18100] =	vst v63  }
0xcf: {  	s30 =	simm.s32 $0x4900;
	v3 =	vperm.xlane v3, v2  }
0xd0: {  	[tilespmem:s30], [sflag:$0x1] =	stream.indirect_vreg.gather [hbm4b:s5+s2], $0x80, v4, vm0, $0xb8;
	[tilespmem:$0x18100] =	vst v63  }
0xd1: {  	v3 =	vadd.s32 v1, v3;
	s30 =	simm.s32 $0x5100  }
0xd2: {  	[tilespmem:s30], [sflag:$0x1] =	stream.indirect_vreg.gather [hbm4b:s6+s2], $0x80, v4, vm0, $0xb8;
	[tilespmem:$0x18100] =	vst v63  }
0xd3: {  	s30 =	simm.s32 $0x5900  }
0xd4: {  	[tilespmem:s30], [sflag:$0x1] =	stream.indirect_vreg.gather [hbm4b:s7+s2], $0x80, v4, vm0, $0xb8;
	[tilespmem:$0x18100] =	vst v63  }
0xd5: {  	s30 =	simm.s32 $0x6100  }
0xd6: {  	[tilespmem:s30], [sflag:$0x1] =	stream.indirect_vreg.gather [hbm4b:s4+s2], $0x80, v3, vm0, $0xb8;
	[tilespmem:$0x18100] =	vst v63  }
0xd7: {  	s30 =	simm.s32 $0x6900  }
0xd8: {  	[tilespmem:s30], [sflag:$0x1] =	stream.indirect_vreg.gather [hbm4b:s5+s2], $0x80, v3, vm0, $0xb8;
	[tilespmem:$0x18100] =	vst v63  }
0xd9: {  	s30 =	simm.s32 $0x7100  }
0xda: {  	[tilespmem:s30], [sflag:$0x1] =	stream.indirect_vreg.gather [hbm4b:s6+s2], $0x80, v3, vm0, $0xb8;
	[tilespmem:$0x18100] =	vst v63  }
0xdb: {  	s30 =	simm.s32 $0x7900  }
0xdc: {  	[tilespmem:s30], [sflag:$0x1] =	stream.indirect_vreg.gather [hbm4b:s7+s2], $0x80, v3, vm0, $0xb8;
	[tilespmem:$0x18100] =	vst v63  }
0xdd: {  	s23 =	rddreg [dreg:$0x5]  }
0xde: {  	[hbm4b:s23+s2] =	stream.linear.scatter [tilespmem:s9], [sflag:$0x2], $0x4000, $0x38;
	[tilespmem:$0x18100] =	vst v63  }
0xdf: {  	_ =	swait.ge [sflag:s20], $0x4000  }
0xe0: {  	[sflag:s20] =	ssyncset.done $0x0  }
0xe1: {  	[sflag:s20] =	ssyncadd.s32 $0xFFFFC000  }
0xe2: {  	_ =	swait.ge [sflag:s22], $0x4000  }
0xe3: {  	[sflag:s22] =	ssyncset.done $0x0  }
0xe4: {  	[sflag:s22] =	ssyncadd.s32 $0xFFFFC000  }
0xe5: {  	v3 =	vld [tilespmem:$0x80];
	_ =	sdelay $0x4  }
0xe6: {  	v56 =	vshll.u32 v3, $0x3  }
0xe7: {  	v3 =	vand.u32 $0x7, v3;
	v4 =	vand.u32 $0xFFFFFFC0, v56  }
0xe8: {  	v3 =	vor.u32 v3, v4  }
0xe9: {  	v4 =	vperm.xlane v3, v0;
	_ =	sdelay $0x1  }
0xea: {  	v4 =	vadd.s32 v1, v4;
	_ =	sdelay $0x4  }
0xeb: {  	[tilespmem:s9], [sflag:$0x1] =	stream.indirect_vreg.gather [hbm4b:s4+s2], $0x80, v4, vm0, $0xb8;
	[tilespmem:$0x18100] =	vst v63  }
0xec: {  	s30 =	simm.s32 $0x8900;
	v3 =	vperm.xlane v3, v2  }
0xed: {  	[tilespmem:s30], [sflag:$0x1] =	stream.indirect_vreg.gather [hbm4b:s5+s2], $0x80, v4, vm0, $0xb8;
	[tilespmem:$0x18100] =	vst v63  }
0xee: {  	v3 =	vadd.s32 v1, v3;
	s30 =	simm.s32 $0x9100  }
0xef: {  	[tilespmem:s30], [sflag:$0x1] =	stream.indirect_vreg.gather [hbm4b:s6+s2], $0x80, v4, vm0, $0xb8;
	[tilespmem:$0x18100] =	vst v63  }
0xf0: {  	s30 =	simm.s32 $0x9900  }
0xf1: {  	[tilespmem:s30], [sflag:$0x1] =	stream.indirect_vreg.gather [hbm4b:s7+s2], $0x80, v4, vm0, $0xb8;
	[tilespmem:$0x18100] =	vst v63  }
0xf2: {  	s30 =	simm.s32 $0xA100  }
0xf3: {  	[tilespmem:s30], [sflag:$0x1] =	stream.indirect_vreg.gather [hbm4b:s4+s2], $0x80, v3, vm0, $0xb8;
	[tilespmem:$0x18100] =	vst v63  }
0xf4: {  	s30 =	simm.s32 $0xA900  }
0xf5: {  	[tilespmem:s30], [sflag:$0x1] =	stream.indirect_vreg.gather [hbm4b:s5+s2], $0x80, v3, vm0, $0xb8;
	[tilespmem:$0x18100] =	vst v63  }
0xf6: {  	s30 =	simm.s32 $0xB100  }
0xf7: {  	[tilespmem:s30], [sflag:$0x1] =	stream.indirect_vreg.gather [hbm4b:s6+s2], $0x80, v3, vm0, $0xb8;
	[tilespmem:$0x18100] =	vst v63  }
0xf8: {  	s30 =	simm.s32 $0xB900  }
0xf9: {  	[tilespmem:s30], [sflag:$0x1] =	stream.indirect_vreg.gather [hbm4b:s7+s2], $0x80, v3, vm0, $0xb8;
	[tilespmem:$0x18100] =	vst v63  }
0xfa: {  	s23 =	rddreg [dreg:$0x6]  }
0xfb: {  	[hbm4b:s23+s2] =	stream.linear.scatter [tilespmem:s0], [sflag:$0x2], $0x4000, $0x38;
	[tilespmem:$0x18100] =	vst v63  }
0xfc: {  	_ =	swait.ge [sflag:s20], $0x4000  }
0xfd: {  	[sflag:s20] =	ssyncset.done $0x0  }
0xfe: {  	[sflag:s20] =	ssyncadd.s32 $0xFFFFC000  }
0xff: {  	_ =	swait.ge [sflag:s22], $0x4000  }
0x100: {  	[sflag:s22] =	ssyncset.done $0x0  }
0x101: {  	[sflag:s22] =	ssyncadd.s32 $0xFFFFC000  }
0x102: {  	v3 =	vld [tilespmem:$0x90];
	_ =	sdelay $0x4  }
0x103: {  	v57 =	vshll.u32 v3, $0x3  }
0x104: {  	v3 =	vand.u32 $0x7, v3;
	v4 =	vand.u32 $0xFFFFFFC0, v57  }
0x105: {  	v3 =	vor.u32 v3, v4  }
0x106: {  	v4 =	vperm.xlane v3, v0;
	_ =	sdelay $0x1  }
0x107: {  	v4 =	vadd.s32 v1, v4;
	_ =	sdelay $0x4  }
0x108: {  	[tilespmem:s0], [sflag:$0x1] =	stream.indirect_vreg.gather [hbm4b:s4+s2], $0x80, v4, vm0, $0xb8;
	[tilespmem:$0x18100] =	vst v63  }
0x109: {  	s30 =	simm.s32 $0xC900;
	v3 =	vperm.xlane v3, v2  }
0x10a: {  	[tilespmem:s30], [sflag:$0x1] =	stream.indirect_vreg.gather [hbm4b:s5+s2], $0x80, v4, vm0, $0xb8;
	[tilespmem:$0x18100] =	vst v63  }
0x10b: {  	v3 =	vadd.s32 v1, v3;
	s30 =	simm.s32 $0xD100  }
0x10c: {  	[tilespmem:s30], [sflag:$0x1] =	stream.indirect_vreg.gather [hbm4b:s6+s2], $0x80, v4, vm0, $0xb8;
	[tilespmem:$0x18100] =	vst v63  }
0x10d: {  	s30 =	simm.s32 $0xD900  }
0x10e: {  	[tilespmem:s30], [sflag:$0x1] =	stream.indirect_vreg.gather [hbm4b:s7+s2], $0x80, v4, vm0, $0xb8;
	[tilespmem:$0x18100] =	vst v63  }
0x10f: {  	s30 =	simm.s32 $0xE100  }
0x110: {  	[tilespmem:s30], [sflag:$0x1] =	stream.indirect_vreg.gather [hbm4b:s4+s2], $0x80, v3, vm0, $0xb8;
	[tilespmem:$0x18100] =	vst v63  }
0x111: {  	s30 =	simm.s32 $0xE900  }
0x112: {  	[tilespmem:s30], [sflag:$0x1] =	stream.indirect_vreg.gather [hbm4b:s5+s2], $0x80, v3, vm0, $0xb8;
	[tilespmem:$0x18100] =	vst v63  }
0x113: {  	s30 =	simm.s32 $0xF100  }
0x114: {  	[tilespmem:s30], [sflag:$0x1] =	stream.indirect_vreg.gather [hbm4b:s6+s2], $0x80, v3, vm0, $0xb8;
	[tilespmem:$0x18100] =	vst v63  }
0x115: {  	s30 =	simm.s32 $0xF900  }
0x116: {  	[tilespmem:s30], [sflag:$0x1] =	stream.indirect_vreg.gather [hbm4b:s7+s2], $0x80, v3, vm0, $0xb8;
	[tilespmem:$0x18100] =	vst v63  }
0x117: {  	s23 =	rddreg [dreg:$0x7]  }
0x118: {  	[hbm4b:s23+s2] =	stream.linear.scatter [tilespmem:s29], [sflag:$0x2], $0x4000, $0x38;
	[tilespmem:$0x18100] =	vst v63  }
0x119: {  	_ =	swait.ge [sflag:s20], $0x4000  }
0x11a: {  	[sflag:s20] =	ssyncset.done $0x0  }
0x11b: {  	[sflag:s20] =	ssyncadd.s32 $0xFFFFC000  }
0x11c: {  	_ =	swait.ge [sflag:s22], $0x4000  }
0x11d: {  	[sflag:s22] =	ssyncset.done $0x0  }
0x11e: {  	[sflag:s22] =	ssyncadd.s32 $0xFFFFC000  }
0x11f: {  	v3 =	vld [tilespmem:$0xA0];
	_ =	sdelay $0x4  }
0x120: {  	v58 =	vshll.u32 v3, $0x3  }
0x121: {  	v3 =	vand.u32 $0x7, v3;
	v4 =	vand.u32 $0xFFFFFFC0, v58  }
0x122: {  	v3 =	vor.u32 v3, v4  }
0x123: {  	v4 =	vperm.xlane v3, v0;
	_ =	sdelay $0x1  }
0x124: {  	v4 =	vadd.s32 v1, v4;
	_ =	sdelay $0x4  }
0x125: {  	[tilespmem:s29], [sflag:$0x1] =	stream.indirect_vreg.gather [hbm4b:s4+s2], $0x80, v4, vm0, $0xb8;
	[tilespmem:$0x18100] =	vst v63  }
0x126: {  	v3 =	vperm.xlane v3, v2  }
0x127: {  	[tilespmem:s1], [sflag:$0x1] =	stream.indirect_vreg.gather [hbm4b:s5+s2], $0x80, v4, vm0, $0xb8;
	[tilespmem:$0x18100] =	vst v63  }
0x128: {  	v3 =	vadd.s32 v1, v3  }
0x129: {  	[tilespmem:s3], [sflag:$0x1] =	stream.indirect_vreg.gather [hbm4b:s6+s2], $0x80, v4, vm0, $0xb8;
	[tilespmem:$0x18100] =	vst v63  }
0x12a: {  	_ = 	snop  }
0x12b: {  	[tilespmem:s10], [sflag:$0x1] =	stream.indirect_vreg.gather [hbm4b:s7+s2], $0x80, v4, vm0, $0xb8;
	[tilespmem:$0x18100] =	vst v63  }
0x12c: {  	_ = 	snop  }
0x12d: {  	[tilespmem:s11], [sflag:$0x1] =	stream.indirect_vreg.gather [hbm4b:s4+s2], $0x80, v3, vm0, $0xb8;
	[tilespmem:$0x18100] =	vst v63  }
0x12e: {  	_ = 	snop  }
0x12f: {  	[tilespmem:s12], [sflag:$0x1] =	stream.indirect_vreg.gather [hbm4b:s5+s2], $0x80, v3, vm0, $0xb8;
	[tilespmem:$0x18100] =	vst v63  }
0x130: {  	_ = 	snop  }
0x131: {  	[tilespmem:s13], [sflag:$0x1] =	stream.indirect_vreg.gather [hbm4b:s6+s2], $0x80, v3, vm0, $0xb8;
	[tilespmem:$0x18100] =	vst v63  }
0x132: {  	_ = 	snop  }
0x133: {  	[tilespmem:s14], [sflag:$0x1] =	stream.indirect_vreg.gather [hbm4b:s7+s2], $0x80, v3, vm0, $0xb8;
	[tilespmem:$0x18100] =	vst v63  }
0x134: {  	s1 =	rddreg [dreg:$0x8]  }
0x135: {  	[hbm4b:s1+s2] =	stream.linear.scatter [tilespmem:s15], [sflag:$0x2], $0x4000, $0x38;
	[tilespmem:$0x18100] =	vst v63  }
0x136: {  	_ =	swait.ge [sflag:s20], $0x4000  }
0x137: {  	[sflag:s20] =	ssyncset.done $0x0  }
0x138: {  	[sflag:s20] =	ssyncadd.s32 $0xFFFFC000  }
0x139: {  	_ =	swait.ge [sflag:s22], $0x4000  }
0x13a: {  	[sflag:s22] =	ssyncset.done $0x0  }
0x13b: {  	[sflag:s22] =	ssyncadd.s32 $0xFFFFC000  }
0x13c: {  	v3 =	vld [tilespmem:$0xB0];
	_ =	sdelay $0x4  }
0x13d: {  	v59 =	vshll.u32 v3, $0x3  }
0x13e: {  	v3 =	vand.u32 $0x7, v3;
	v4 =	vand.u32 $0xFFFFFFC0, v59  }
0x13f: {  	v3 =	vor.u32 v3, v4  }
0x140: {  	v4 =	vperm.xlane v3, v0;
	_ =	sdelay $0x1  }
0x141: {  	v4 =	vadd.s32 v1, v4;
	_ =	sdelay $0x4  }
0x142: {  	[tilespmem:s15], [sflag:$0x1] =	stream.indirect_vreg.gather [hbm4b:s4+s2], $0x80, v4, vm0, $0xb8;
	[tilespmem:$0x18100] =	vst v63  }
0x143: {  	v3 =	vperm.xlane v3, v2  }
0x144: {  	[tilespmem:s16], [sflag:$0x1] =	stream.indirect_vreg.gather [hbm4b:s5+s2], $0x80, v4, vm0, $0xb8;
	[tilespmem:$0x18100] =	vst v63  }
0x145: {  	v3 =	vadd.s32 v1, v3  }
0x146: {  	[tilespmem:s17], [sflag:$0x1] =	stream.indirect_vreg.gather [hbm4b:s6+s2], $0x80, v4, vm0, $0xb8;
	[tilespmem:$0x18100] =	vst v63  }
0x147: {  	_ = 	snop  }
0x148: {  	[tilespmem:s19], [sflag:$0x1] =	stream.indirect_vreg.gather [hbm4b:s7+s2], $0x80, v4, vm0, $0xb8;
	[tilespmem:$0x18100] =	vst v63  }
0x149: {  	_ = 	snop  }
0x14a: {  	[tilespmem:s21], [sflag:$0x1] =	stream.indirect_vreg.gather [hbm4b:s4+s2], $0x80, v3, vm0, $0xb8;
	[tilespmem:$0x18100] =	vst v63  }
0x14b: {  	_ = 	snop  }
0x14c: {  	[tilespmem:s24], [sflag:$0x1] =	stream.indirect_vreg.gather [hbm4b:s5+s2], $0x80, v3, vm0, $0xb8;
	[tilespmem:$0x18100] =	vst v63  }
0x14d: {  	_ = 	snop  }
0x14e: {  	[tilespmem:s25], [sflag:$0x1] =	stream.indirect_vreg.gather [hbm4b:s6+s2], $0x80, v3, vm0, $0xb8;
	[tilespmem:$0x18100] =	vst v63  }
0x14f: {  	_ = 	snop  }
0x150: {  	[tilespmem:s28], [sflag:$0x1] =	stream.indirect_vreg.gather [hbm4b:s7+s2], $0x80, v3, vm0, $0xb8;
	[tilespmem:$0x18100] =	vst v63  }
0x151: {  	s1 =	rddreg [dreg:$0x9]  }
0x152: {  	[hbm4b:s1+s2] =	stream.linear.scatter [tilespmem:s18], [sflag:$0x2], $0x4000, $0x38;
	[tilespmem:$0x18100] =	vst v63  }
0x153: {  	_ =	swait.ge [sflag:s20], $0x4000  }
0x154: {  	[sflag:s20] =	ssyncset.done $0x0  }
0x155: {  	[sflag:s20] =	ssyncadd.s32 $0xFFFFC000  }
0x156: {  	_ =	swait.ge [sflag:s22], $0x4000  }
0x157: {  	[sflag:s22] =	ssyncset.done $0x0  }
0x158: {  	[sflag:s22] =	ssyncadd.s32 $0xFFFFC000  }
0x159: {  	v3 =	vld [tilespmem:$0xC0];
	_ =	sdelay $0x4  }
0x15a: {  	v60 =	vshll.u32 v3, $0x3  }
0x15b: {  	v3 =	vand.u32 $0x7, v3;
	v4 =	vand.u32 $0xFFFFFFC0, v60  }
0x15c: {  	v3 =	vor.u32 v3, v4  }
0x15d: {  	v4 =	vperm.xlane v3, v0;
	_ =	sdelay $0x1  }
0x15e: {  	v4 =	vadd.s32 v1, v4;
	_ =	sdelay $0x4  }
0x15f: {  	[tilespmem:s18], [sflag:$0x1] =	stream.indirect_vreg.gather [hbm4b:s4+s2], $0x80, v4, vm0, $0xb8;
	[tilespmem:$0x18100] =	vst v63  }
0x160: {  	s23 =	simm.s32 $0x900;
	v3 =	vperm.xlane v3, v2  }
0x161: {  	[tilespmem:s23], [sflag:$0x1] =	stream.indirect_vreg.gather [hbm4b:s5+s2], $0x80, v4, vm0, $0xb8;
	[tilespmem:$0x18100] =	vst v63  }
0x162: {  	v3 =	vadd.s32 v1, v3;
	s23 =	simm.s32 $0x1100  }
0x163: {  	[tilespmem:s23], [sflag:$0x1] =	stream.indirect_vreg.gather [hbm4b:s6+s2], $0x80, v4, vm0, $0xb8;
	[tilespmem:$0x18100] =	vst v63  }
0x164: {  	s23 =	simm.s32 $0x1900  }
0x165: {  	[tilespmem:s23], [sflag:$0x1] =	stream.indirect_vreg.gather [hbm4b:s7+s2], $0x80, v4, vm0, $0xb8;
	[tilespmem:$0x18100] =	vst v63  }
0x166: {  	s31 =	simm.s32 $0x2100  }
0x167: {  	[tilespmem:s31], [sflag:$0x1] =	stream.indirect_vreg.gather [hbm4b:s4+s2], $0x80, v3, vm0, $0xb8;
	[tilespmem:$0x18100] =	vst v63  }
0x168: {  	s31 =	simm.s32 $0x2900  }
0x169: {  	[tilespmem:s31], [sflag:$0x1] =	stream.indirect_vreg.gather [hbm4b:s5+s2], $0x80, v3, vm0, $0xb8;
	[tilespmem:$0x18100] =	vst v63  }
0x16a: {  	s23 =	simm.s32 $0x3100  }
0x16b: {  	[tilespmem:s23], [sflag:$0x1] =	stream.indirect_vreg.gather [hbm4b:s6+s2], $0x80, v3, vm0, $0xb8;
	[tilespmem:$0x18100] =	vst v63  }
0x16c: {  	s31 =	simm.s32 $0x3900  }
0x16d: {  	[tilespmem:s31], [sflag:$0x1] =	stream.indirect_vreg.gather [hbm4b:s7+s2], $0x80, v3, vm0, $0xb8;
	[tilespmem:$0x18100] =	vst v63  }
0x16e: {  	s23 =	rddreg [dreg:$0xa]  }
0x16f: {  	[hbm4b:s23+s2] =	stream.linear.scatter [tilespmem:s26], [sflag:$0x2], $0x4000, $0x38;
	[tilespmem:$0x18100] =	vst v63  }
0x170: {  	_ =	swait.ge [sflag:s20], $0x4000  }
0x171: {  	[sflag:s20] =	ssyncset.done $0x0  }
0x172: {  	[sflag:s20] =	ssyncadd.s32 $0xFFFFC000  }
0x173: {  	_ =	swait.ge [sflag:s22], $0x4000  }
0x174: {  	[sflag:s22] =	ssyncset.done $0x0  }
0x175: {  	[sflag:s22] =	ssyncadd.s32 $0xFFFFC000  }
0x176: {  	v3 =	vld [tilespmem:$0xD0];
	_ =	sdelay $0x4  }
0x177: {  	v61 =	vshll.u32 v3, $0x3  }
0x178: {  	v3 =	vand.u32 $0x7, v3;
	v4 =	vand.u32 $0xFFFFFFC0, v61  }
0x179: {  	v3 =	vor.u32 v3, v4  }
0x17a: {  	v4 =	vperm.xlane v3, v0;
	_ =	sdelay $0x1  }
0x17b: {  	v4 =	vadd.s32 v1, v4;
	_ =	sdelay $0x4  }
0x17c: {  	[tilespmem:s26], [sflag:$0x1] =	stream.indirect_vreg.gather [hbm4b:s4+s2], $0x80, v4, vm0, $0xb8;
	[tilespmem:$0x18100] =	vst v63  }
0x17d: {  	s31 =	simm.s32 $0x4900;
	v3 =	vperm.xlane v3, v2  }
0x17e: {  	[tilespmem:s31], [sflag:$0x1] =	stream.indirect_vreg.gather [hbm4b:s5+s2], $0x80, v4, vm0, $0xb8;
	[tilespmem:$0x18100] =	vst v63  }
0x17f: {  	s23 =	simm.s32 $0x5100;
	v3 =	vadd.s32 v1, v3  }
0x180: {  	[tilespmem:s23], [sflag:$0x1] =	stream.indirect_vreg.gather [hbm4b:s6+s2], $0x80, v4, vm0, $0xb8;
	[tilespmem:$0x18100] =	vst v63  }
0x181: {  	s31 =	simm.s32 $0x5900  }
0x182: {  	[tilespmem:s31], [sflag:$0x1] =	stream.indirect_vreg.gather [hbm4b:s7+s2], $0x80, v4, vm0, $0xb8;
	[tilespmem:$0x18100] =	vst v63  }
0x183: {  	s23 =	simm.s32 $0x6100  }
0x184: {  	[tilespmem:s23], [sflag:$0x1] =	stream.indirect_vreg.gather [hbm4b:s4+s2], $0x80, v3, vm0, $0xb8;
	[tilespmem:$0x18100] =	vst v63  }
0x185: {  	s31 =	simm.s32 $0x6900  }
0x186: {  	[tilespmem:s31], [sflag:$0x1] =	stream.indirect_vreg.gather [hbm4b:s5+s2], $0x80, v3, vm0, $0xb8;
	[tilespmem:$0x18100] =	vst v63  }
0x187: {  	s23 =	simm.s32 $0x7100  }
0x188: {  	[tilespmem:s23], [sflag:$0x1] =	stream.indirect_vreg.gather [hbm4b:s6+s2], $0x80, v3, vm0, $0xb8;
	[tilespmem:$0x18100] =	vst v63  }
0x189: {  	s31 =	simm.s32 $0x7900  }
0x18a: {  	[tilespmem:s31], [sflag:$0x1] =	stream.indirect_vreg.gather [hbm4b:s7+s2], $0x80, v3, vm0, $0xb8;
	[tilespmem:$0x18100] =	vst v63  }
0x18b: {  	s23 =	rddreg [dreg:$0xb]  }
0x18c: {  	[hbm4b:s23+s2] =	stream.linear.scatter [tilespmem:s9], [sflag:$0x2], $0x4000, $0x38;
	[tilespmem:$0x18100] =	vst v63  }
0x18d: {  	_ =	swait.ge [sflag:s20], $0x4000  }
0x18e: {  	[sflag:s20] =	ssyncset.done $0x0  }
0x18f: {  	[sflag:s20] =	ssyncadd.s32 $0xFFFFC000  }
0x190: {  	_ =	swait.ge [sflag:s22], $0x4000  }
0x191: {  	[sflag:s22] =	ssyncset.done $0x0  }
0x192: {  	[sflag:s22] =	ssyncadd.s32 $0xFFFFC000  }
0x193: {  	v3 =	vld [tilespmem:$0xE0];
	_ =	sdelay $0x4  }
0x194: {  	v62 =	vshll.u32 v3, $0x3  }
0x195: {  	v3 =	vand.u32 $0x7, v3;
	v4 =	vand.u32 $0xFFFFFFC0, v62  }
0x196: {  	v3 =	vor.u32 v3, v4  }
0x197: {  	v4 =	vperm.xlane v3, v0;
	_ =	sdelay $0x1  }
0x198: {  	v4 =	vadd.s32 v1, v4;
	_ =	sdelay $0x4  }
0x199: {  	[tilespmem:s9], [sflag:$0x1] =	stream.indirect_vreg.gather [hbm4b:s4+s2], $0x80, v4, vm0, $0xb8;
	[tilespmem:$0x18100] =	vst v63  }
0x19a: {  	s31 =	simm.s32 $0x8900;
	v3 =	vperm.xlane v3, v2  }
0x19b: {  	[tilespmem:s31], [sflag:$0x1] =	stream.indirect_vreg.gather [hbm4b:s5+s2], $0x80, v4, vm0, $0xb8;
	[tilespmem:$0x18100] =	vst v63  }
0x19c: {  	s23 =	simm.s32 $0x9100;
	v3 =	vadd.s32 v1, v3  }
0x19d: {  	[tilespmem:s23], [sflag:$0x1] =	stream.indirect_vreg.gather [hbm4b:s6+s2], $0x80, v4, vm0, $0xb8;
	[tilespmem:$0x18100] =	vst v63  }
0x19e: {  	s31 =	simm.s32 $0x9900  }
0x19f: {  	[tilespmem:s31], [sflag:$0x1] =	stream.indirect_vreg.gather [hbm4b:s7+s2], $0x80, v4, vm0, $0xb8;
	[tilespmem:$0x18100] =	vst v63  }
0x1a0: {  	s23 =	simm.s32 $0xA100  }
0x1a1: {  	[tilespmem:s23], [sflag:$0x1] =	stream.indirect_vreg.gather [hbm4b:s4+s2], $0x80, v3, vm0, $0xb8;
	[tilespmem:$0x18100] =	vst v63  }
0x1a2: {  	s31 =	simm.s32 $0xA900  }
0x1a3: {  	[tilespmem:s31], [sflag:$0x1] =	stream.indirect_vreg.gather [hbm4b:s5+s2], $0x80, v3, vm0, $0xb8;
	[tilespmem:$0x18100] =	vst v63  }
0x1a4: {  	s23 =	simm.s32 $0xB100  }
0x1a5: {  	[tilespmem:s23], [sflag:$0x1] =	stream.indirect_vreg.gather [hbm4b:s6+s2], $0x80, v3, vm0, $0xb8;
	[tilespmem:$0x18100] =	vst v63  }
0x1a6: {  	s31 =	simm.s32 $0xB900  }
0x1a7: {  	[tilespmem:s31], [sflag:$0x1] =	stream.indirect_vreg.gather [hbm4b:s7+s2], $0x80, v3, vm0, $0xb8;
	[tilespmem:$0x18100] =	vst v63  }
0x1a8: {  	s23 =	rddreg [dreg:$0xc]  }
0x1a9: {  	[hbm4b:s23+s2] =	stream.linear.scatter [tilespmem:s0], [sflag:$0x2], $0x4000, $0x38;
	[tilespmem:$0x18100] =	vst v63  }
0x1aa: {  	_ =	swait.ge [sflag:s20], $0x4000  }
0x1ab: {  	[sflag:s20] =	ssyncset.done $0x0  }
0x1ac: {  	[sflag:s20] =	ssyncadd.s32 $0xFFFFC000  }
0x1ad: {  	_ =	swait.ge [sflag:s22], $0x4000  }
0x1ae: {  	[sflag:s22] =	ssyncset.done $0x0  }
0x1af: {  	[sflag:s22] =	ssyncadd.s32 $0xFFFFC000  }
0x1b0: {  	v3 =	vld [tilespmem:$0xF0];
	_ =	sdelay $0x4  }
0x1b1: {  	v63 =	vshll.u32 v3, $0x3  }
0x1b2: {  	v3 =	vand.u32 $0x7, v3;
	v4 =	vand.u32 $0xFFFFFFC0, v63  }
0x1b3: {  	v3 =	vor.u32 v3, v4  }
0x1b4: {  	v4 =	vperm.xlane v3, v0;
	_ =	sdelay $0x1  }
0x1b5: {  	v4 =	vadd.s32 v1, v4;
	_ =	sdelay $0x4  }
0x1b6: {  	[tilespmem:s0], [sflag:$0x1] =	stream.indirect_vreg.gather [hbm4b:s4+s2], $0x80, v4, vm0, $0xb8;
	[tilespmem:$0x18100] =	vst v63  }
0x1b7: {  	s23 =	simm.s32 $0xC900;
	v3 =	vperm.xlane v3, v2  }
0x1b8: {  	[tilespmem:s23], [sflag:$0x1] =	stream.indirect_vreg.gather [hbm4b:s5+s2], $0x80, v4, vm0, $0xb8;
	[tilespmem:$0x18100] =	vst v63  }
0x1b9: {  	s31 =	simm.s32 $0xD100;
	v3 =	vadd.s32 v1, v3  }
0x1ba: {  	[tilespmem:s31], [sflag:$0x1] =	stream.indirect_vreg.gather [hbm4b:s6+s2], $0x80, v4, vm0, $0xb8;
	[tilespmem:$0x18100] =	vst v63  }
0x1bb: {  	s23 =	simm.s32 $0xD900  }
0x1bc: {  	[tilespmem:s23], [sflag:$0x1] =	stream.indirect_vreg.gather [hbm4b:s7+s2], $0x80, v4, vm0, $0xb8;
	[tilespmem:$0x18100] =	vst v63  }
0x1bd: {  	s31 =	simm.s32 $0xE100  }
0x1be: {  	[tilespmem:s31], [sflag:$0x1] =	stream.indirect_vreg.gather [hbm4b:s4+s2], $0x80, v3, vm0, $0xb8;
	[tilespmem:$0x18100] =	vst v63  }
0x1bf: {  	s23 =	simm.s32 $0xE900  }
0x1c0: {  	[tilespmem:s23], [sflag:$0x1] =	stream.indirect_vreg.gather [hbm4b:s5+s2], $0x80, v3, vm0, $0xb8;
	[tilespmem:$0x18100] =	vst v63  }
0x1c1: {  	s31 =	simm.s32 $0xF100  }
0x1c2: {  	[tilespmem:s31], [sflag:$0x1] =	stream.indirect_vreg.gather [hbm4b:s6+s2], $0x80, v3, vm0, $0xb8;
	[tilespmem:$0x18100] =	vst v63  }
0x1c3: {  	s30 =	simm.s32 $0xF900  }
0x1c4: {  	[tilespmem:s30], [sflag:$0x1] =	stream.indirect_vreg.gather [hbm4b:s7+s2], $0x80, v3, vm0, $0xb8;
	[tilespmem:$0x18100] =	vst v63  }
0x1c5: {  	s1 =	rddreg [dreg:$0xd]  }
0x1c6: {  	[hbm4b:s1+s2] =	stream.linear.scatter [tilespmem:s29], [sflag:$0x2], $0x4000, $0x38;
	[tilespmem:$0x18100] =	vst v63  }
0x1c7: {  	_ =	swait.ge [sflag:s20], $0x4000  }
0x1c8: {  	[sflag:s20] =	ssyncset.done $0x0  }
0x1c9: {  	s30 =	rddreg [dreg:$0xe];
	[sflag:s20] =	ssyncadd.s32 $0xFFFFC000  }
0x1ca: {  	[hbm4b:s30+s2] =	stream.linear.scatter [tilespmem:s15], [sflag:$0x2], $0x4000, $0x38;
	[tilespmem:$0x18100] =	vst v63  }
0x1cb: {  	_ =	swait.ge [sflag:s20], $0x4000  }
0x1cc: {  	[sflag:s20] =	ssyncset.done $0x0  }
0x1cd: {  	s31 =	rddreg [dreg:$0xf];
	[sflag:s20] =	ssyncadd.s32 $0xFFFFC000  }
0x1ce: {  	[hbm4b:s31+s2] =	stream.linear.scatter [tilespmem:s18], [sflag:$0x2], $0x4000, $0x38;
	[tilespmem:$0x18100] =	vst v63  }
0x1cf: {  	_ =	swait.ge [sflag:s20], $0x4000  }
0x1d0: {  	[sflag:s20] =	ssyncset.done $0x0  }
0x1d1: {  	s1 =	rddreg [dreg:$0x10];
	[sflag:s20] =	ssyncadd.s32 $0xFFFFC000  }
0x1d2: {  	[hbm4b:s1+s2] =	stream.linear.scatter [tilespmem:s26], [sflag:$0x2], $0x4000, $0x38;
	[tilespmem:$0x18100] =	vst v63  }
0x1d3: {  	_ =	swait.ge [sflag:s20], $0x4000  }
0x1d4: {  	[sflag:s20] =	ssyncset.done $0x0  }
0x1d5: {  	s30 =	rddreg [dreg:$0x11];
	[sflag:s20] =	ssyncadd.s32 $0xFFFFC000  }
0x1d6: {  	[hbm4b:s30+s2] =	stream.linear.scatter [tilespmem:s9], [sflag:$0x2], $0x4000, $0x38;
	[tilespmem:$0x18100] =	vst v63  }
0x1d7: {  	_ =	swait.ge [sflag:s20], $0x4000  }
0x1d8: {  	[sflag:s20] =	ssyncset.done $0x0  }
0x1d9: {  	s31 =	rddreg [dreg:$0x12];
	[sflag:s20] =	ssyncadd.s32 $0xFFFFC000  }
0x1da: {  	[hbm4b:s31+s2] =	stream.linear.scatter [tilespmem:s0], [sflag:$0x2], $0x4000, $0x38;
	[tilespmem:$0x18100] =	vst v63  }
0x1db: {  	_ =	swait.ge [sflag:s22], $0x4000  }
0x1dc: {  	[sflag:s22] =	ssyncset.done $0x0  }
0x1dd: {  	[sflag:s22] =	ssyncadd.s32 $0xFFFFC000  }
0x1de: {  	_ =	swait.ge [sflag:s22], $0x4000  }
0x1df: {  	[sflag:s22] =	ssyncset.done $0x0  }
0x1e0: {  	[sflag:s22] =	ssyncadd.s32 $0xFFFFC000  }
0x1e1: {  	_ =	swait.ge [sflag:s22], $0x4000  }
0x1e2: {  	[sflag:s22] =	ssyncset.done $0x0  }
0x1e3: {  	[sflag:s22] =	ssyncadd.s32 $0xFFFFC000  }
0x1e4: {  	_ =	swait.ge [sflag:s22], $0x4000  }
0x1e5: {  	[sflag:s22] =	ssyncset.done $0x0  }
0x1e6: {  	[sflag:s22] =	ssyncadd.s32 $0xFFFFC000  }
0x1e7: {  	p0 =	sne.s32 s8, $0x1;
	_ =	swait.ge [sflag:s22], $0x4000  }
.Ltmp0:
0x1e8: {  	[sflag:s22] =	ssyncset.done $0x0;
	(pc) =	sbr.rel @p0 .LBB2_1-.Ltmp0, $4  }
0x1e9: {  	[sflag:s22] =	ssyncadd.s32 $0xFFFFC000  }
0x1ea: {  	_ =	swait.ge [sflag:s22], $0x4000  }
0x1eb: {  	[sflag:s22] =	ssyncset.done $0x0  }
0x1ec: {  	s8 =	sadd.s32 $0xFFFFFFFF, s8;
	[sflag:s22] =	ssyncadd.s32 $0xFFFFC000  }
0x1ed: {  	_ =	sfence.sel $0x180000  }
0x1ee: {  	[bflag:$0x0] =	sbarrier.arrive $0xFFFF  }
0x1ef: {  	_ =	strace $0x90000047  }
0x1f0: {  	s0 =	stileid.u32;
	[bflag:$0x2] =	sbarrier.arrive $0xFFFF  }
0x1f1: {  	p0 =	sne.s32 s0, $0x0;
	s0 =	rddreg [dreg:$0x2]  }
0x1f2: {  	s0 =	sadd.s32 @!p0 $0x100000, s0  }
0x1f3: {  	[sflag:s0] =	ssyncadd.tile.s32 @!p0 $0x1;
	_ =	shalt  }
.Lfunc_end2:
_tile_overlayer_lowered:
.L_overlay_start_2:
0x1f4: {  	(tag) =	ssettag $0x2  }
0x1f5: {  	s0 =	rddreg [dreg:$0x0];
	s2 =	stileid.u32  }
0x1f6: {  	s1 =	rddreg [dreg:$0x1];
	p0 =	sne.s32 s2, $0x0  }
0x1f7: {  	s3 =	rddreg [dreg:$0x2];
	[bflag:$0x3] =	sbarrier.arrive $0xFFFF;
	s2 =	simm.s32 @!p0 $0x1C03  }
0x1f8: {  	[timem:s3], [sflag:s2] =	dma.local @!p0 [hbm:s0], s1  }
0x1f9: {  	s0 =	simm.s32 @!p0 $0x3  }
0x1fa: {  	_ =	swait.ge @!p0 [sflag:s0], s1  }
0x1fb: {  	s1 =	ssub.s32 @!p0 $0x0, s1;
	[sflag:s0] =	ssyncset.done @!p0 $0x0  }
0x1fc: {  	[sflag:s0] =	ssyncadd.s32 @!p0 s1  }
0x1fd: {  	[bflag:$0x3] =	sbarrier.arrive $0xFFFF  }
0x1fe: {  	_ =	shalt  }

</sc_bundles>
